<compile_context>
chip_gen: v7x
topology: tpu7x:2x2x1
jax: 0.10.2.dev20260603
libtpu: 0.0.44.dev20260713+nightly
codegen_flags: <defaults>
</compile_context>

<pallas_src>
import functools

import jax
import jax.numpy as jnp
from jax import lax
from jax.experimental import pallas as pl
from jax.experimental.pallas import tpu as pltpu
from jax.experimental.pallas import tpu_sc as plsc

KSEL = 16


def _dot(a, b):
    return jnp.dot(a, b, preferred_element_type=jnp.float32)


def _mlp3_relu(x, W1, b1, W2, b2, W3, b3):
    h = jnp.maximum(_dot(x, W1) + b1, 0.0)
    h = jnp.maximum(_dot(h, W2) + b2, 0.0)
    return _dot(h, W3) + b3


def _stream_merge(dbuf, col0, tv_s, ti_s):
    Q, kt = dbuf.shape
    big_idx = jnp.int32(2 ** 30)

    def one_pass(carry):
        d = dbuf[...]
        gidx = lax.broadcasted_iota(jnp.int32, (Q, kt), 1) + col0
        m = jnp.min(d, axis=1, keepdims=True)
        sel = jnp.min(jnp.where(d == m, gidx, big_idx), axis=1,
                      keepdims=True)
        dbuf[...] = jnp.where(gidx == sel, jnp.inf, d)
        tv = tv_s[...]
        ti = ti_s[...]
        thr = tv[:, KSEL - 1:KSEL]
        tvm1 = jnp.concatenate(
            [jnp.full((Q, 1), -jnp.inf, jnp.float32), tv[:, :KSEL - 1]], 1)
        tim1 = jnp.concatenate(
            [jnp.zeros((Q, 1), jnp.int32), ti[:, :KSEL - 1]], 1)
        stay = tv <= m
        ins = jnp.logical_and(jnp.logical_not(stay), tvm1 <= m)
        tv_s[...] = jnp.where(stay, tv, jnp.where(ins, m, tvm1))
        ti_s[...] = jnp.where(stay, ti, jnp.where(ins, sel, tim1))
        return jnp.any(m < thr)

    lax.fori_loop(0, KSEL + 1, lambda i, c: one_pass(c), jnp.bool_(True))


def _topk_body(num_tiles, kt,
               q_ref, keys_ref, W1r, b1r, W2r, b2r, W3r, b3r,
               idx_out, w_out, conf_out,
               cq_s, qn_s, tv_s, ti_s, db_s):
    t = pl.program_id(0)

    @pl.when(t == 0)
    def _init():
        cq = _mlp3_relu(q_ref[...], W1r[...], b1r[...], W2r[...], b2r[...],
                        W3r[...], b3r[...])
        cq_s[...] = cq
        qn_s[...] = jnp.sum(cq * cq, axis=1, keepdims=True)
        tv_s[...] = jnp.full(tv_s.shape, jnp.inf, jnp.float32)
        ti_s[...] = jnp.zeros(ti_s.shape, jnp.int32)

    ck = _mlp3_relu(keys_ref[...], W1r[...], b1r[...], W2r[...], b2r[...],
                    W3r[...], b3r[...])
    kn = jnp.sum(ck * ck, axis=1)
    qk = lax.dot_general(cq_s[...], ck, (((1,), (1,)), ((), ())),
                         preferred_element_type=jnp.float32)
    db_s[...] = qn_s[...] + kn[None, :] - 2.0 * qk

    _stream_merge(db_s, t * jnp.int32(kt), tv_s, ti_s)

    nv = tv_s[...]
    w = 1.0 / (nv + 1e-6)
    w_out[...] = w / jnp.sum(w, axis=1, keepdims=True)
    idx_out[...] = ti_s[...]
    conf_out[...] = 1.0 / (nv[:, :1] + 1e-6)


def _topk_search(query, mem_keys, cW1, cb1, cW2, cb2, cW3, cb3, kt):
    Q, D = query.shape
    K = mem_keys.shape[0]
    C = cW3.shape[1]
    assert K % kt == 0
    num_tiles = K // kt
    const = lambda *_: (0, 0)
    grid_spec = pltpu.PrefetchScalarGridSpec(
        num_scalar_prefetch=0,
        grid=(num_tiles,),
        in_specs=[
            pl.BlockSpec((Q, D), const),
            pl.BlockSpec((kt, D), lambda t: (t, 0)),
            pl.BlockSpec(cW1.shape, const),
            pl.BlockSpec((1, cb1.shape[-1]), const),
            pl.BlockSpec(cW2.shape, const),
            pl.BlockSpec((1, cb2.shape[-1]), const),
            pl.BlockSpec(cW3.shape, const),
            pl.BlockSpec((1, cb3.shape[-1]), const),
        ],
        out_specs=[
            pl.BlockSpec((Q, KSEL), const),
            pl.BlockSpec((Q, KSEL), const),
            pl.BlockSpec((Q, 1), const),
        ],
        scratch_shapes=[
            pltpu.VMEM((Q, C), jnp.float32),
            pltpu.VMEM((Q, 1), jnp.float32),
            pltpu.VMEM((Q, KSEL), jnp.float32),
            pltpu.VMEM((Q, KSEL), jnp.int32),
            pltpu.VMEM((Q, kt), jnp.float32),
        ],
    )
    return pl.pallas_call(
        functools.partial(_topk_body, num_tiles, kt),
        grid_spec=grid_spec,
        out_shape=[
            jax.ShapeDtypeStruct((Q, KSEL), jnp.int32),
            jax.ShapeDtypeStruct((Q, KSEL), jnp.float32),
            jax.ShapeDtypeStruct((Q, 1), jnp.float32),
        ],
        compiler_params=pltpu.CompilerParams(
            dimension_semantics=("arbitrary",)),
    )(query, mem_keys, cW1, cb1.reshape(1, -1), cW2, cb2.reshape(1, -1),
      cW3, cb3.reshape(1, -1))


def _sc_gather(table, idx2d):
    V, C = table.shape
    R, CH = idx2d.shape
    B = R * CH
    info = plsc.get_sparse_core_info()
    NW = info.num_cores * info.num_subcores
    rows_per_w = R // NW
    b_per_w = rows_per_w * CH
    mesh = plsc.VectorSubcoreMesh(core_axis_name="c", subcore_axis_name="s")

    @functools.partial(
        pl.kernel, mesh=mesh,
        out_type=jax.ShapeDtypeStruct((B, C), jnp.float32),
        scratch_types=[
            pltpu.VMEM((rows_per_w, CH), jnp.int32),
            pltpu.VMEM((b_per_w, C), jnp.float32),
            pltpu.SemaphoreType.DMA,
        ],
    )
    def kfn(table_hbm, idx_hbm, out_hbm, idx_v, rows_v, sem):
        wid = lax.axis_index("s") * info.num_cores + lax.axis_index("c")
        pltpu.sync_copy(idx_hbm.at[pl.ds(wid * rows_per_w, rows_per_w)], idx_v)
        copies = []
        for c in range(rows_per_w):
            copies.append(pltpu.async_copy(
                table_hbm.at[idx_v.at[c]],
                rows_v.at[pl.ds(c * CH, CH)], sem))
        for cp in copies:
            cp.wait()
        pltpu.sync_copy(rows_v, out_hbm.at[pl.ds(wid * b_per_w, b_per_w)])

    return kfn(table, idx2d)


def _combine_body(g_ref, w_ref, W1r, b1r, W2r, b2r, W3r, b3r, out_ref):
    w = w_ref[...]
    acc = g_ref[:, 0, :] * w[:, 0:1]
    for j in range(1, KSEL):
        acc = acc + g_ref[:, j, :] * w[:, j:j + 1]
    out_ref[...] = _mlp3_relu(acc, W1r[...], b1r[...], W2r[...], b2r[...],
                              W3r[...], b3r[...])


def _combine_decompress(gathered3, weights, dW1, db1, dW2, db2, dW3, db3):
    Q, ks, C = gathered3.shape
    D = dW3.shape[1]
    return pl.pallas_call(
        _combine_body,
        out_shape=jax.ShapeDtypeStruct((Q, D), jnp.float32),
    )(gathered3, weights, dW1, db1.reshape(1, -1), dW2, db2.reshape(1, -1),
      dW3, db3.reshape(1, -1))


def kernel(query, mem_keys, mem_values,
           cW1, cb1, cW2, cb2, cW3, cb3,
           dW1, db1, dW2, db2, dW3, db3, k):
    Q = query.shape[0]
    C = mem_values.shape[1]
    idx, weights, conf = _topk_search(query, mem_keys,
                                      cW1, cb1, cW2, cb2, cW3, cb3, kt=2000)
    idx2d = idx.reshape(-1, 128)
    gathered = _sc_gather(mem_values, idx2d)
    retrieved = _combine_decompress(gathered.reshape(Q, KSEL, C), weights,
                                    dW1, db1, dW2, db2, dW3, db3)
    return retrieved, conf.reshape(Q)

# --- scband reference (transcript-rebuilt; emitter-appended) ---
"""Pipeline reference for scband-long-term-memory-16801912062742 (READ-ONLY COPY).

The authoritative reference and input builder live on the scoring server;
editing this copy changes nothing except your own understanding.
"""

import jax, jax.numpy as jnp
import numpy as np


def _mlp3(x, W1, b1, W2, b2, W3, b3):
    h = jax.nn.relu(x @ W1 + b1)
    h = jax.nn.relu(h @ W2 + b2)
    return h @ W3 + b3


def setup_inputs(seed: int = 0) -> dict:
    key = jax.random.key(seed)
    ks = jax.random.split(key, 20)
    Q, K, D, C = 1024, 100000, 1024, 128
    h1, h2 = D // 2, D // 4

    def w(i, shape, fan):
        return (jax.random.normal(ks[i], shape, jnp.float32) / np.sqrt(fan)).astype(jnp.float32)

    inp = {}
    inp["query"] = jax.random.normal(ks[0], (Q, D), jnp.float32)
    inp["mem_keys"] = jax.random.normal(ks[1], (K, D), jnp.float32)
    inp["mem_values"] = jax.random.normal(ks[2], (K, C), jnp.float32)
    # compressor: D -> D//2 -> D//4 -> C
    inp["cW1"] = w(3, (D, h1), D); inp["cb1"] = jnp.zeros((h1,), jnp.float32)
    inp["cW2"] = w(4, (h1, h2), h1); inp["cb2"] = jnp.zeros((h2,), jnp.float32)
    inp["cW3"] = w(5, (h2, C), h2); inp["cb3"] = jnp.zeros((C,), jnp.float32)
    # decompressor: C -> D//4 -> D//2 -> D
    inp["dW1"] = w(6, (C, h2), C); inp["db1"] = jnp.zeros((h2,), jnp.float32)
    inp["dW2"] = w(7, (h2, h1), h2); inp["db2"] = jnp.zeros((h1,), jnp.float32)
    inp["dW3"] = w(8, (h1, D), h1); inp["db3"] = jnp.zeros((D,), jnp.float32)
    inp["k"] = 16
    return inp


def reference(query, mem_keys, mem_values,
              cW1, cb1, cW2, cb2, cW3, cb3,
              dW1, db1, dW2, db2, dW3, db3, k):
    # consolidate(): compress all stored keys (index.add of compressed keys)
    comp_keys = _mlp3(mem_keys, cW1, cb1, cW2, cb2, cW3, cb3)   # [K, C]
    # retrieve(): compress queries
    comp_q = _mlp3(query, cW1, cb1, cW2, cb2, cW3, cb3)          # [Q, C]
    # faiss IndexFlatL2 returns squared L2 distances
    d2 = (jnp.sum(comp_q * comp_q, axis=1, keepdims=True)
          + jnp.sum(comp_keys * comp_keys, axis=1)[None, :]
          - 2.0 * (comp_q @ comp_keys.T))                        # [Q, K]
    neg_d, idx = jax.lax.top_k(-d2, 16)                          # k smallest distances
    idx = idx + (k - k)
    dist = -neg_d                                                # [Q, k]
    weights = 1.0 / (dist + 1e-06)
    weights = weights / jnp.sum(weights, axis=1, keepdims=True)  # [Q, k]
    gathered = jnp.take(mem_values, idx, axis=0)                 # [Q, k, C]
    weighted = jnp.einsum('qk,qkc->qc', weights, gathered)       # [Q, C]
    retrieved = _mlp3(weighted, dW1, db1, dW2, db2, dW3, db3)    # [Q, D]
    confidence = 1.0 / (jnp.min(dist, axis=1) + 1e-06)           # [Q]
    return retrieved, confidence

if __name__ == "__main__":
    import jax
    _d = setup_inputs()
    print(jax.jit(kernel)(*tuple(_d.values())))

</pallas_src>

<mosaic_0001>
#map = affine_map<(d0, d1) -> (0, 0)>
module attributes {stable_mosaic.version = 14 : i64} {
  func.func @kfn(%arg0: i32, %arg1: i32, %arg2: memref<100000x128xf32, #tpu.memory_space<hbm>>, %arg3: memref<128x128xi32, #tpu.memory_space<hbm>>, %arg4: memref<16384x128xf32, #tpu.memory_space<hbm>>, %arg5: memref<4x128xi32, #tpu.memory_space<vmem>>, %arg6: memref<512x128xf32, #tpu.memory_space<vmem>>, %arg7: memref<!tpu.dma_semaphore, #tpu.memory_space<semaphore_mem>>) attributes {dimension_semantics = [#tpu.dimension_semantics<core_parallel>, #tpu.dimension_semantics<subcore_parallel>], iteration_bounds = array<i64: 2, 16>, scalar_prefetch = 0 : i64, scratch_operands = 3 : i64, tpu.core_type = #tpu.core_type<sc_vector_subcore>, window_params = [{transform_indices = #map}, {transform_indices = #map}, {transform_indices = #map}]} {
    %mul3A = arith.constant 2 : i32
    %mul3A_0 = arith.muli %arg1, %mul3A : i32
    %add3A = arith.addi %mul3A_0, %arg0 : i32
    %mul3A_1 = arith.constant 4 : i32
    %mul3A_2 = arith.muli %add3A, %mul3A_1 : i32
    "tpu.region"() ({
      %run_scoped3A = tpu.sem_alloc : memref<!tpu.dma_semaphore, #tpu.memory_space<semaphore_mem>>
      %dma_start3A_83 = arith.constant 0 : i32
      %dma_start3A_84 = tpu.memref_slice %arg3[%mul3A_2, %dma_start3A_83] : memref<128x128xi32, #tpu.memory_space<hbm>> -> memref<4x128xi32, #tpu.memory_space<hbm>>
      %dma_start3A_85 = arith.constant 0 : i32
      %dma_start3A_86 = tpu.memref_slice %arg3[%mul3A_2, %dma_start3A_85] : memref<128x128xi32, #tpu.memory_space<hbm>> -> memref<4x128xi32, #tpu.memory_space<hbm>>
      tpu.enqueue_dma source(%dma_start3A_86 : memref<4x128xi32, #tpu.memory_space<hbm>>) target(%arg5 : memref<4x128xi32, #tpu.memory_space<vmem>>) target_semaphore(%run_scoped3A : memref<!tpu.dma_semaphore, #tpu.memory_space<semaphore_mem>>)
      %dma_wait3A_87 = arith.constant 0 : i32
      %dma_wait3A_88 = tpu.memref_slice %arg3[%mul3A_2, %dma_wait3A_87] : memref<128x128xi32, #tpu.memory_space<hbm>> -> memref<4x128xi32, #tpu.memory_space<hbm>>
      %dma_wait3A_89 = arith.constant 0 : i32
      %dma_wait3A_90 = tpu.memref_slice %arg3[%mul3A_2, %dma_wait3A_89] : memref<128x128xi32, #tpu.memory_space<hbm>> -> memref<4x128xi32, #tpu.memory_space<hbm>>
      tpu.wait_dma2 semaphore(%run_scoped3A : memref<!tpu.dma_semaphore, #tpu.memory_space<semaphore_mem>>) src(%dma_wait3A_90 : memref<4x128xi32, #tpu.memory_space<hbm>>) dst(%arg5 : memref<4x128xi32, #tpu.memory_space<vmem>>)
      tpu.yield
    }) : () -> ()
    %dma_start3A = arith.constant 0 : i32
    %dma_start3A_3 = arith.constant 0 : i32
    %dma_start3A_4 = arith.constant 0 : i32
    %dma_start3A_5 = tpu.memref_slice %arg6[%dma_start3A_3, %dma_start3A_4] : memref<512x128xf32, #tpu.memory_space<vmem>> -> memref<128x128xf32, #tpu.memory_space<vmem>>
    %dma_start3A_6 = arith.constant 0 : i32
    %dma_start3A_7 = tpu.memref_slice %arg5[%dma_start3A, %dma_start3A_6] : memref<4x128xi32, #tpu.memory_space<vmem>> -> memref<1x128xi32, #tpu.memory_space<vmem>>
    %dma_start3A_8 = tpu.memref_squeeze %dma_start3A_7 : memref<1x128xi32, #tpu.memory_space<vmem>> -> memref<128xi32, #tpu.memory_space<vmem>>
    %dma_start3A_9 = arith.constant 0 : i32
    %dma_start3A_10 = arith.constant 0 : i32
    %dma_start3A_11 = tpu.memref_slice %arg2[%dma_start3A_9, %dma_start3A_10] : memref<100000x128xf32, #tpu.memory_space<hbm>> -> memref<100000x128xf32, #tpu.memory_space<hbm>>
    tpu.enqueue_indirect_dma source(%dma_start3A_11 : memref<100000x128xf32, #tpu.memory_space<hbm>>) target(%dma_start3A_5 : memref<128x128xf32, #tpu.memory_space<vmem>>) offsets(%dma_start3A_8 : memref<128xi32, #tpu.memory_space<vmem>>) semaphore(%arg7 : memref<!tpu.dma_semaphore, #tpu.memory_space<semaphore_mem>>)
    %dma_start3A_12 = arith.constant 1 : i32
    %dma_start3A_13 = arith.constant 128 : i32
    %dma_start3A_14 = arith.constant 0 : i32
    %dma_start3A_15 = tpu.memref_slice %arg6[%dma_start3A_13, %dma_start3A_14] : memref<512x128xf32, #tpu.memory_space<vmem>> -> memref<128x128xf32, #tpu.memory_space<vmem>>
    %dma_start3A_16 = arith.constant 0 : i32
    %dma_start3A_17 = tpu.memref_slice %arg5[%dma_start3A_12, %dma_start3A_16] : memref<4x128xi32, #tpu.memory_space<vmem>> -> memref<1x128xi32, #tpu.memory_space<vmem>>
    %dma_start3A_18 = tpu.memref_squeeze %dma_start3A_17 : memref<1x128xi32, #tpu.memory_space<vmem>> -> memref<128xi32, #tpu.memory_space<vmem>>
    %dma_start3A_19 = arith.constant 0 : i32
    %dma_start3A_20 = arith.constant 0 : i32
    %dma_start3A_21 = tpu.memref_slice %arg2[%dma_start3A_19, %dma_start3A_20] : memref<100000x128xf32, #tpu.memory_space<hbm>> -> memref<100000x128xf32, #tpu.memory_space<hbm>>
    tpu.enqueue_indirect_dma source(%dma_start3A_21 : memref<100000x128xf32, #tpu.memory_space<hbm>>) target(%dma_start3A_15 : memref<128x128xf32, #tpu.memory_space<vmem>>) offsets(%dma_start3A_18 : memref<128xi32, #tpu.memory_space<vmem>>) semaphore(%arg7 : memref<!tpu.dma_semaphore, #tpu.memory_space<semaphore_mem>>)
    %dma_start3A_22 = arith.constant 2 : i32
    %dma_start3A_23 = arith.constant 256 : i32
    %dma_start3A_24 = arith.constant 0 : i32
    %dma_start3A_25 = tpu.memref_slice %arg6[%dma_start3A_23, %dma_start3A_24] : memref<512x128xf32, #tpu.memory_space<vmem>> -> memref<128x128xf32, #tpu.memory_space<vmem>>
    %dma_start3A_26 = arith.constant 0 : i32
    %dma_start3A_27 = tpu.memref_slice %arg5[%dma_start3A_22, %dma_start3A_26] : memref<4x128xi32, #tpu.memory_space<vmem>> -> memref<1x128xi32, #tpu.memory_space<vmem>>
    %dma_start3A_28 = tpu.memref_squeeze %dma_start3A_27 : memref<1x128xi32, #tpu.memory_space<vmem>> -> memref<128xi32, #tpu.memory_space<vmem>>
    %dma_start3A_29 = arith.constant 0 : i32
    %dma_start3A_30 = arith.constant 0 : i32
    %dma_start3A_31 = tpu.memref_slice %arg2[%dma_start3A_29, %dma_start3A_30] : memref<100000x128xf32, #tpu.memory_space<hbm>> -> memref<100000x128xf32, #tpu.memory_space<hbm>>
    tpu.enqueue_indirect_dma source(%dma_start3A_31 : memref<100000x128xf32, #tpu.memory_space<hbm>>) target(%dma_start3A_25 : memref<128x128xf32, #tpu.memory_space<vmem>>) offsets(%dma_start3A_28 : memref<128xi32, #tpu.memory_space<vmem>>) semaphore(%arg7 : memref<!tpu.dma_semaphore, #tpu.memory_space<semaphore_mem>>)
    %dma_start3A_32 = arith.constant 3 : i32
    %dma_start3A_33 = arith.constant 384 : i32
    %dma_start3A_34 = arith.constant 0 : i32
    %dma_start3A_35 = tpu.memref_slice %arg6[%dma_start3A_33, %dma_start3A_34] : memref<512x128xf32, #tpu.memory_space<vmem>> -> memref<128x128xf32, #tpu.memory_space<vmem>>
    %dma_start3A_36 = arith.constant 0 : i32
    %dma_start3A_37 = tpu.memref_slice %arg5[%dma_start3A_32, %dma_start3A_36] : memref<4x128xi32, #tpu.memory_space<vmem>> -> memref<1x128xi32, #tpu.memory_space<vmem>>
    %dma_start3A_38 = tpu.memref_squeeze %dma_start3A_37 : memref<1x128xi32, #tpu.memory_space<vmem>> -> memref<128xi32, #tpu.memory_space<vmem>>
    %dma_start3A_39 = arith.constant 0 : i32
    %dma_start3A_40 = arith.constant 0 : i32
    %dma_start3A_41 = tpu.memref_slice %arg2[%dma_start3A_39, %dma_start3A_40] : memref<100000x128xf32, #tpu.memory_space<hbm>> -> memref<100000x128xf32, #tpu.memory_space<hbm>>
    tpu.enqueue_indirect_dma source(%dma_start3A_41 : memref<100000x128xf32, #tpu.memory_space<hbm>>) target(%dma_start3A_35 : memref<128x128xf32, #tpu.memory_space<vmem>>) offsets(%dma_start3A_38 : memref<128xi32, #tpu.memory_space<vmem>>) semaphore(%arg7 : memref<!tpu.dma_semaphore, #tpu.memory_space<semaphore_mem>>)
    %dma_wait3A = arith.constant 0 : i32
    %dma_wait3A_42 = arith.constant 0 : i32
    %dma_wait3A_43 = arith.constant 0 : i32
    %dma_wait3A_44 = tpu.memref_slice %arg6[%dma_wait3A_42, %dma_wait3A_43] : memref<512x128xf32, #tpu.memory_space<vmem>> -> memref<128x128xf32, #tpu.memory_space<vmem>>
    %dma_wait3A_45 = arith.constant 0 : i32
    %dma_wait3A_46 = tpu.memref_slice %arg5[%dma_wait3A, %dma_wait3A_45] : memref<4x128xi32, #tpu.memory_space<vmem>> -> memref<1x128xi32, #tpu.memory_space<vmem>>
    %dma_wait3A_47 = tpu.memref_squeeze %dma_wait3A_46 : memref<1x128xi32, #tpu.memory_space<vmem>> -> memref<128xi32, #tpu.memory_space<vmem>>
    %dma_wait3A_48 = arith.constant 0 : i32
    %dma_wait3A_49 = arith.constant 0 : i32
    %dma_wait3A_50 = tpu.memref_slice %arg2[%dma_wait3A_48, %dma_wait3A_49] : memref<100000x128xf32, #tpu.memory_space<hbm>> -> memref<100000x128xf32, #tpu.memory_space<hbm>>
    tpu.wait_indirect_dma semaphore(%arg7 : memref<!tpu.dma_semaphore, #tpu.memory_space<semaphore_mem>>) src(%dma_wait3A_50 : memref<100000x128xf32, #tpu.memory_space<hbm>>) dst(%dma_wait3A_44 : memref<128x128xf32, #tpu.memory_space<vmem>>)
    %dma_wait3A_51 = arith.constant 1 : i32
    %dma_wait3A_52 = arith.constant 128 : i32
    %dma_wait3A_53 = arith.constant 0 : i32
    %dma_wait3A_54 = tpu.memref_slice %arg6[%dma_wait3A_52, %dma_wait3A_53] : memref<512x128xf32, #tpu.memory_space<vmem>> -> memref<128x128xf32, #tpu.memory_space<vmem>>
    %dma_wait3A_55 = arith.constant 0 : i32
    %dma_wait3A_56 = tpu.memref_slice %arg5[%dma_wait3A_51, %dma_wait3A_55] : memref<4x128xi32, #tpu.memory_space<vmem>> -> memref<1x128xi32, #tpu.memory_space<vmem>>
    %dma_wait3A_57 = tpu.memref_squeeze %dma_wait3A_56 : memref<1x128xi32, #tpu.memory_space<vmem>> -> memref<128xi32, #tpu.memory_space<vmem>>
    %dma_wait3A_58 = arith.constant 0 : i32
    %dma_wait3A_59 = arith.constant 0 : i32
    %dma_wait3A_60 = tpu.memref_slice %arg2[%dma_wait3A_58, %dma_wait3A_59] : memref<100000x128xf32, #tpu.memory_space<hbm>> -> memref<100000x128xf32, #tpu.memory_space<hbm>>
    tpu.wait_indirect_dma semaphore(%arg7 : memref<!tpu.dma_semaphore, #tpu.memory_space<semaphore_mem>>) src(%dma_wait3A_60 : memref<100000x128xf32, #tpu.memory_space<hbm>>) dst(%dma_wait3A_54 : memref<128x128xf32, #tpu.memory_space<vmem>>)
    %dma_wait3A_61 = arith.constant 2 : i32
    %dma_wait3A_62 = arith.constant 256 : i32
    %dma_wait3A_63 = arith.constant 0 : i32
    %dma_wait3A_64 = tpu.memref_slice %arg6[%dma_wait3A_62, %dma_wait3A_63] : memref<512x128xf32, #tpu.memory_space<vmem>> -> memref<128x128xf32, #tpu.memory_space<vmem>>
    %dma_wait3A_65 = arith.constant 0 : i32
    %dma_wait3A_66 = tpu.memref_slice %arg5[%dma_wait3A_61, %dma_wait3A_65] : memref<4x128xi32, #tpu.memory_space<vmem>> -> memref<1x128xi32, #tpu.memory_space<vmem>>
    %dma_wait3A_67 = tpu.memref_squeeze %dma_wait3A_66 : memref<1x128xi32, #tpu.memory_space<vmem>> -> memref<128xi32, #tpu.memory_space<vmem>>
    %dma_wait3A_68 = arith.constant 0 : i32
    %dma_wait3A_69 = arith.constant 0 : i32
    %dma_wait3A_70 = tpu.memref_slice %arg2[%dma_wait3A_68, %dma_wait3A_69] : memref<100000x128xf32, #tpu.memory_space<hbm>> -> memref<100000x128xf32, #tpu.memory_space<hbm>>
    tpu.wait_indirect_dma semaphore(%arg7 : memref<!tpu.dma_semaphore, #tpu.memory_space<semaphore_mem>>) src(%dma_wait3A_70 : memref<100000x128xf32, #tpu.memory_space<hbm>>) dst(%dma_wait3A_64 : memref<128x128xf32, #tpu.memory_space<vmem>>)
    %dma_wait3A_71 = arith.constant 3 : i32
    %dma_wait3A_72 = arith.constant 384 : i32
    %dma_wait3A_73 = arith.constant 0 : i32
    %dma_wait3A_74 = tpu.memref_slice %arg6[%dma_wait3A_72, %dma_wait3A_73] : memref<512x128xf32, #tpu.memory_space<vmem>> -> memref<128x128xf32, #tpu.memory_space<vmem>>
    %dma_wait3A_75 = arith.constant 0 : i32
    %dma_wait3A_76 = tpu.memref_slice %arg5[%dma_wait3A_71, %dma_wait3A_75] : memref<4x128xi32, #tpu.memory_space<vmem>> -> memref<1x128xi32, #tpu.memory_space<vmem>>
    %dma_wait3A_77 = tpu.memref_squeeze %dma_wait3A_76 : memref<1x128xi32, #tpu.memory_space<vmem>> -> memref<128xi32, #tpu.memory_space<vmem>>
    %dma_wait3A_78 = arith.constant 0 : i32
    %dma_wait3A_79 = arith.constant 0 : i32
    %dma_wait3A_80 = tpu.memref_slice %arg2[%dma_wait3A_78, %dma_wait3A_79] : memref<100000x128xf32, #tpu.memory_space<hbm>> -> memref<100000x128xf32, #tpu.memory_space<hbm>>
    tpu.wait_indirect_dma semaphore(%arg7 : memref<!tpu.dma_semaphore, #tpu.memory_space<semaphore_mem>>) src(%dma_wait3A_80 : memref<100000x128xf32, #tpu.memory_space<hbm>>) dst(%dma_wait3A_74 : memref<128x128xf32, #tpu.memory_space<vmem>>)
    %mul3A_81 = arith.constant 512 : i32
    %mul3A_82 = arith.muli %add3A, %mul3A_81 : i32
    "tpu.region"() ({
      %run_scoped3A = tpu.sem_alloc : memref<!tpu.dma_semaphore, #tpu.memory_space<semaphore_mem>>
      %dma_start3A_83 = arith.constant 0 : i32
      %dma_start3A_84 = tpu.memref_slice %arg4[%mul3A_82, %dma_start3A_83] : memref<16384x128xf32, #tpu.memory_space<hbm>> -> memref<512x128xf32, #tpu.memory_space<hbm>>
      %dma_start3A_85 = arith.constant 0 : i32
      %dma_start3A_86 = tpu.memref_slice %arg4[%mul3A_82, %dma_start3A_85] : memref<16384x128xf32, #tpu.memory_space<hbm>> -> memref<512x128xf32, #tpu.memory_space<hbm>>
      tpu.enqueue_dma source(%arg6 : memref<512x128xf32, #tpu.memory_space<vmem>>) target(%dma_start3A_86 : memref<512x128xf32, #tpu.memory_space<hbm>>) target_semaphore(%run_scoped3A : memref<!tpu.dma_semaphore, #tpu.memory_space<semaphore_mem>>)
      %dma_wait3A_87 = arith.constant 0 : i32
      %dma_wait3A_88 = tpu.memref_slice %arg4[%mul3A_82, %dma_wait3A_87] : memref<16384x128xf32, #tpu.memory_space<hbm>> -> memref<512x128xf32, #tpu.memory_space<hbm>>
      %dma_wait3A_89 = arith.constant 0 : i32
      %dma_wait3A_90 = tpu.memref_slice %arg4[%mul3A_82, %dma_wait3A_89] : memref<16384x128xf32, #tpu.memory_space<hbm>> -> memref<512x128xf32, #tpu.memory_space<hbm>>
      tpu.wait_dma2 semaphore(%run_scoped3A : memref<!tpu.dma_semaphore, #tpu.memory_space<semaphore_mem>>) src(%arg6 : memref<512x128xf32, #tpu.memory_space<vmem>>) dst(%dma_wait3A_90 : memref<512x128xf32, #tpu.memory_space<hbm>>)
      tpu.yield
    }) : () -> ()
    return
  }
}

module attributes {stable_mosaic.version = 14 : i64} {
  func.func @_topk_body(%arg0: i32, %arg1: memref<1024x1024xf32, #tpu.memory_space<vmem>>, %arg2: memref<2000x1024xf32, #tpu.memory_space<vmem>>, %arg3: memref<1024x512xf32, #tpu.memory_space<vmem>>, %arg4: memref<1x512xf32, #tpu.memory_space<vmem>>, %arg5: memref<512x256xf32, #tpu.memory_space<vmem>>, %arg6: memref<1x256xf32, #tpu.memory_space<vmem>>, %arg7: memref<256x128xf32, #tpu.memory_space<vmem>>, %arg8: memref<1x128xf32, #tpu.memory_space<vmem>>, %arg9: memref<1024x16xi32, #tpu.memory_space<vmem>>, %arg10: memref<1024x16xf32, #tpu.memory_space<vmem>>, %arg11: memref<1024x1xf32, #tpu.memory_space<vmem>>, %arg12: memref<1024x128xf32, #tpu.memory_space<vmem>>, %arg13: memref<1024x1xf32, #tpu.memory_space<vmem>>, %arg14: memref<1024x16xf32, #tpu.memory_space<vmem>>, %arg15: memref<1024x16xi32, #tpu.memory_space<vmem>>, %arg16: memref<1024x2000xf32, #tpu.memory_space<vmem>>) attributes {dimension_semantics = [#tpu.dimension_semantics<arbitrary>], iteration_bounds = array<i64: 50>, scalar_prefetch = 0 : i64, scratch_operands = 5 : i64, tpu.core_type = #tpu.core_type<tc>, window_params = [{pipeline_mode = #tpu.pipeline_mode<synchronous>, transform_indices = @transform_0, window_bounds = array<i64: 1024, 1024>}, {transform_indices = @transform_1, window_bounds = array<i64: 2000, 1024>}, {pipeline_mode = #tpu.pipeline_mode<synchronous>, transform_indices = @transform_2, window_bounds = array<i64: 1024, 512>}, {pipeline_mode = #tpu.pipeline_mode<synchronous>, transform_indices = @transform_3, window_bounds = array<i64: 1, 512>}, {pipeline_mode = #tpu.pipeline_mode<synchronous>, transform_indices = @transform_4, window_bounds = array<i64: 512, 256>}, {pipeline_mode = #tpu.pipeline_mode<synchronous>, transform_indices = @transform_5, window_bounds = array<i64: 1, 256>}, {pipeline_mode = #tpu.pipeline_mode<synchronous>, transform_indices = @transform_6, window_bounds = array<i64: 256, 128>}, {pipeline_mode = #tpu.pipeline_mode<synchronous>, transform_indices = @transform_7, window_bounds = array<i64: 1, 128>}, {pipeline_mode = #tpu.pipeline_mode<synchronous>, transform_indices = @transform_8, window_bounds = array<i64: 1024, 16>}, {pipeline_mode = #tpu.pipeline_mode<synchronous>, transform_indices = @transform_9, window_bounds = array<i64: 1024, 16>}, {pipeline_mode = #tpu.pipeline_mode<synchronous>, transform_indices = @transform_10, window_bounds = array<i64: 1024, 1>}]} {
    %eq3A = arith.constant 0 : i32
    %eq3A_0 = arith.cmpi eq, %arg0, %eq3A : i32
    %convert_element_type3A = arith.extui %eq3A_0 : i1 to i32
    %cond3A = arith.constant 0 : i32
    %cond3A_1 = arith.cmpi ne, %convert_element_type3A, %cond3A : i32
    scf.if %cond3A_1 {
      %get3A_91 = arith.constant 0 : index
      %get3A_92 = arith.constant 0 : index
      %get3A_93 = vector.load %arg1[%get3A_91, %get3A_92] : memref<1024x1024xf32, #tpu.memory_space<vmem>>, vector<1024x1024xf32>
      %get3A_94 = arith.constant 0 : index
      %get3A_95 = arith.constant 0 : index
      %get3A_96 = vector.load %arg3[%get3A_94, %get3A_95] : memref<1024x512xf32, #tpu.memory_space<vmem>>, vector<1024x512xf32>
      %get3A_97 = arith.constant 0 : index
      %get3A_98 = arith.constant 0 : index
      %get3A_99 = vector.load %arg4[%get3A_97, %get3A_98] : memref<1x512xf32, #tpu.memory_space<vmem>>, vector<1x512xf32>
      %get3A_100 = arith.constant 0 : index
      %get3A_101 = arith.constant 0 : index
      %get3A_102 = vector.load %arg5[%get3A_100, %get3A_101] : memref<512x256xf32, #tpu.memory_space<vmem>>, vector<512x256xf32>
      %get3A_103 = arith.constant 0 : index
      %get3A_104 = arith.constant 0 : index
      %get3A_105 = vector.load %arg6[%get3A_103, %get3A_104] : memref<1x256xf32, #tpu.memory_space<vmem>>, vector<1x256xf32>
      %get3A_106 = arith.constant 0 : index
      %get3A_107 = arith.constant 0 : index
      %get3A_108 = vector.load %arg7[%get3A_106, %get3A_107] : memref<256x128xf32, #tpu.memory_space<vmem>>, vector<256x128xf32>
      %get3A_109 = arith.constant 0 : index
      %get3A_110 = arith.constant 0 : index
      %get3A_111 = vector.load %arg8[%get3A_109, %get3A_110] : memref<1x128xf32, #tpu.memory_space<vmem>>, vector<1x128xf32>
      %dot_general3A_112 = arith.constant dense<0.000000e+00> : vector<1024x512xf32>
      %dot_general3A_113 = tpu.matmul %get3A_93, %get3A_96, %dot_general3A_112 {dimension_numbers = #tpu.dot_dimension_numbers<[1], [0], [0], [1], [0, 0, 1, 1], [], []>, transpose_lhs_hint = false} : vector<1024x1024xf32>, vector<1024x512xf32>, vector<1024x512xf32> -> vector<1024x512xf32>
      %add3A_114 = vector.broadcast %get3A_99 : vector<1x512xf32> to vector<1024x512xf32>
      %add3A_115 = arith.addf %dot_general3A_113, %add3A_114 : vector<1024x512xf32>
      %max3A_116 = arith.constant 0.000000e+00 : f32
      %max3A_117 = vector.broadcast %max3A_116 : f32 to vector<1024x512xf32>
      %max3A_118 = arith.maximumf %add3A_115, %max3A_117 : vector<1024x512xf32>
      %dot_general3A_119 = arith.constant dense<0.000000e+00> : vector<1024x256xf32>
      %dot_general3A_120 = tpu.matmul %max3A_118, %get3A_102, %dot_general3A_119 {dimension_numbers = #tpu.dot_dimension_numbers<[1], [0], [0], [1], [0, 0, 1, 1], [], []>, transpose_lhs_hint = false} : vector<1024x512xf32>, vector<512x256xf32>, vector<1024x256xf32> -> vector<1024x256xf32>
      %add3A_121 = vector.broadcast %get3A_105 : vector<1x256xf32> to vector<1024x256xf32>
      %add3A_122 = arith.addf %dot_general3A_120, %add3A_121 : vector<1024x256xf32>
      %max3A_123 = arith.constant 0.000000e+00 : f32
      %max3A_124 = vector.broadcast %max3A_123 : f32 to vector<1024x256xf32>
      %max3A_125 = arith.maximumf %add3A_122, %max3A_124 : vector<1024x256xf32>
      %dot_general3A_126 = arith.constant dense<0.000000e+00> : vector<1024x128xf32>
      %dot_general3A_127 = tpu.matmul %max3A_125, %get3A_108, %dot_general3A_126 {dimension_numbers = #tpu.dot_dimension_numbers<[1], [0], [0], [1], [0, 0, 1, 1], [], []>, transpose_lhs_hint = false} : vector<1024x256xf32>, vector<256x128xf32>, vector<1024x128xf32> -> vector<1024x128xf32>
      %add3A_128 = vector.broadcast %get3A_111 : vector<1x128xf32> to vector<1024x128xf32>
      %add3A_129 = arith.addf %dot_general3A_127, %add3A_128 : vector<1024x128xf32>
      %swap3A_130 = arith.constant 0 : index
      %swap3A_131 = arith.constant 0 : index
      %swap3A_132 = vector.load %arg12[%swap3A_130, %swap3A_131] : memref<1024x128xf32, #tpu.memory_space<vmem>>, vector<1024x128xf32>
      tpu.vector_store %arg12[%swap3A_130, %swap3A_131], %add3A_129 {strides = array<i32>} : memref<1024x128xf32, #tpu.memory_space<vmem>>, vector<1024x128xf32>,
      %mul3A_133 = arith.mulf %add3A_129, %add3A_129 : vector<1024x128xf32>
      %reduce_sum3A_134 = arith.constant dense<0.000000e+00> : vector<1024xf32>
      %reduce_sum3A_135 = vector.multi_reduction <add>, %mul3A_133, %reduce_sum3A_134 [1] : vector<1024x128xf32> to vector<1024xf32>
      %broadcast_in_dim3A_136 = vector.shape_cast %reduce_sum3A_135 : vector<1024xf32> to vector<1024x1xf32>
      %swap3A_137 = arith.constant 0 : index
      %swap3A_138 = arith.constant 0 : index
      %swap3A_139 = vector.load %arg13[%swap3A_137, %swap3A_138] : memref<1024x1xf32, #tpu.memory_space<vmem>>, vector<1024x1xf32>
      tpu.vector_store %arg13[%swap3A_137, %swap3A_138], %broadcast_in_dim3A_136 {strides = array<i32>} : memref<1024x1xf32, #tpu.memory_space<vmem>>, vector<1024x1xf32>,
      %broadcast_in_dim3A_140 = arith.constant 0x7F800000 : f32
      %broadcast_in_dim3A_141 = vector.broadcast %broadcast_in_dim3A_140 : f32 to vector<1024x16xf32>
      %swap3A_142 = arith.constant 0 : index
      %swap3A_143 = arith.constant 0 : index
      %swap3A_144 = vector.load %arg14[%swap3A_142, %swap3A_143] : memref<1024x16xf32, #tpu.memory_space<vmem>>, vector<1024x16xf32>
      tpu.vector_store %arg14[%swap3A_142, %swap3A_143], %broadcast_in_dim3A_141 {strides = array<i32>} : memref<1024x16xf32, #tpu.memory_space<vmem>>, vector<1024x16xf32>,
      %broadcast_in_dim3A_145 = arith.constant 0 : i32
      %broadcast_in_dim3A_146 = vector.broadcast %broadcast_in_dim3A_145 : i32 to vector<1024x16xi32>
      %swap3A_147 = arith.constant 0 : index
      %swap3A_148 = arith.constant 0 : index
      %swap3A_149 = vector.load %arg15[%swap3A_147, %swap3A_148] : memref<1024x16xi32, #tpu.memory_space<vmem>>, vector<1024x16xi32>
      tpu.vector_store %arg15[%swap3A_147, %swap3A_148], %broadcast_in_dim3A_146 {strides = array<i32>} : memref<1024x16xi32, #tpu.memory_space<vmem>>, vector<1024x16xi32>,
    } else {
    }
    %get3A = arith.constant 0 : index
    %get3A_2 = arith.constant 0 : index
    %get3A_3 = vector.load %arg2[%get3A, %get3A_2] : memref<2000x1024xf32, #tpu.memory_space<vmem>>, vector<2000x1024xf32>
    %get3A_4 = arith.constant 0 : index
    %get3A_5 = arith.constant 0 : index
    %get3A_6 = vector.load %arg3[%get3A_4, %get3A_5] : memref<1024x512xf32, #tpu.memory_space<vmem>>, vector<1024x512xf32>
    %get3A_7 = arith.constant 0 : index
    %get3A_8 = arith.constant 0 : index
    %get3A_9 = vector.load %arg4[%get3A_7, %get3A_8] : memref<1x512xf32, #tpu.memory_space<vmem>>, vector<1x512xf32>
    %get3A_10 = arith.constant 0 : index
    %get3A_11 = arith.constant 0 : index
    %get3A_12 = vector.load %arg5[%get3A_10, %get3A_11] : memref<512x256xf32, #tpu.memory_space<vmem>>, vector<512x256xf32>
    %get3A_13 = arith.constant 0 : index
    %get3A_14 = arith.constant 0 : index
    %get3A_15 = vector.load %arg6[%get3A_13, %get3A_14] : memref<1x256xf32, #tpu.memory_space<vmem>>, vector<1x256xf32>
    %get3A_16 = arith.constant 0 : index
    %get3A_17 = arith.constant 0 : index
    %get3A_18 = vector.load %arg7[%get3A_16, %get3A_17] : memref<256x128xf32, #tpu.memory_space<vmem>>, vector<256x128xf32>
    %get3A_19 = arith.constant 0 : index
    %get3A_20 = arith.constant 0 : index
    %get3A_21 = vector.load %arg8[%get3A_19, %get3A_20] : memref<1x128xf32, #tpu.memory_space<vmem>>, vector<1x128xf32>
    %dot_general3A = arith.constant dense<0.000000e+00> : vector<2000x512xf32>
    %dot_general3A_22 = tpu.matmul %get3A_3, %get3A_6, %dot_general3A {dimension_numbers = #tpu.dot_dimension_numbers<[1], [0], [0], [1], [0, 0, 1, 1], [], []>, transpose_lhs_hint = false} : vector<2000x1024xf32>, vector<1024x512xf32>, vector<2000x512xf32> -> vector<2000x512xf32>
    %add3A = vector.broadcast %get3A_9 : vector<1x512xf32> to vector<2000x512xf32>
    %add3A_23 = arith.addf %dot_general3A_22, %add3A : vector<2000x512xf32>
    %max3A = arith.constant 0.000000e+00 : f32
    %max3A_24 = vector.broadcast %max3A : f32 to vector<2000x512xf32>
    %max3A_25 = arith.maximumf %add3A_23, %max3A_24 : vector<2000x512xf32>
    %dot_general3A_26 = arith.constant dense<0.000000e+00> : vector<2000x256xf32>
    %dot_general3A_27 = tpu.matmul %max3A_25, %get3A_12, %dot_general3A_26 {dimension_numbers = #tpu.dot_dimension_numbers<[1], [0], [0], [1], [0, 0, 1, 1], [], []>, transpose_lhs_hint = false} : vector<2000x512xf32>, vector<512x256xf32>, vector<2000x256xf32> -> vector<2000x256xf32>
    %add3A_28 = vector.broadcast %get3A_15 : vector<1x256xf32> to vector<2000x256xf32>
    %add3A_29 = arith.addf %dot_general3A_27, %add3A_28 : vector<2000x256xf32>
    %max3A_30 = arith.constant 0.000000e+00 : f32
    %max3A_31 = vector.broadcast %max3A_30 : f32 to vector<2000x256xf32>
    %max3A_32 = arith.maximumf %add3A_29, %max3A_31 : vector<2000x256xf32>
    %dot_general3A_33 = arith.constant dense<0.000000e+00> : vector<2000x128xf32>
    %dot_general3A_34 = tpu.matmul %max3A_32, %get3A_18, %dot_general3A_33 {dimension_numbers = #tpu.dot_dimension_numbers<[1], [0], [0], [1], [0, 0, 1, 1], [], []>, transpose_lhs_hint = false} : vector<2000x256xf32>, vector<256x128xf32>, vector<2000x128xf32> -> vector<2000x128xf32>
    %add3A_35 = vector.broadcast %get3A_21 : vector<1x128xf32> to vector<2000x128xf32>
    %add3A_36 = arith.addf %dot_general3A_34, %add3A_35 : vector<2000x128xf32>
    %mul3A = arith.mulf %add3A_36, %add3A_36 : vector<2000x128xf32>
    %reduce_sum3A = arith.constant dense<0.000000e+00> : vector<2000xf32>
    %reduce_sum3A_37 = vector.multi_reduction <add>, %mul3A, %reduce_sum3A [1] : vector<2000x128xf32> to vector<2000xf32>
    %get3A_38 = arith.constant 0 : index
    %get3A_39 = arith.constant 0 : index
    %get3A_40 = vector.load %arg12[%get3A_38, %get3A_39] : memref<1024x128xf32, #tpu.memory_space<vmem>>, vector<1024x128xf32>
    %dot_general3A_41 = arith.constant dense<0.000000e+00> : vector<1024x2000xf32>
    %dot_general3A_42 = tpu.matmul %get3A_40, %add3A_36, %dot_general3A_41 {dimension_numbers = #tpu.dot_dimension_numbers<[1], [1], [0], [0], [0, 0, 1, 0], [], []>, transpose_lhs_hint = false} : vector<1024x128xf32>, vector<2000x128xf32>, vector<1024x2000xf32> -> vector<1024x2000xf32>
    %get3A_43 = arith.constant 0 : index
    %get3A_44 = arith.constant 0 : index
    %get3A_45 = vector.load %arg13[%get3A_43, %get3A_44] : memref<1024x1xf32, #tpu.memory_space<vmem>>, vector<1024x1xf32>
    %broadcast_in_dim3A = vector.shape_cast %reduce_sum3A_37 : vector<2000xf32> to vector<1x2000xf32>
    %add3A_46 = vector.broadcast %get3A_45 : vector<1024x1xf32> to vector<1024x2000xf32>
    %add3A_47 = vector.broadcast %broadcast_in_dim3A : vector<1x2000xf32> to vector<1024x2000xf32>
    %add3A_48 = arith.addf %add3A_46, %add3A_47 : vector<1024x2000xf32>
    %mul3A_49 = arith.constant 2.000000e+00 : f32
    %mul3A_50 = vector.broadcast %mul3A_49 : f32 to vector<1024x2000xf32>
    %mul3A_51 = arith.mulf %mul3A_50, %dot_general3A_42 : vector<1024x2000xf32>
    %sub3A = arith.subf %add3A_48, %mul3A_51 : vector<1024x2000xf32>
    %swap3A = arith.constant 0 : index
    %swap3A_52 = arith.constant 0 : index
    %swap3A_53 = vector.load %arg16[%swap3A, %swap3A_52] : memref<1024x2000xf32, #tpu.memory_space<vmem>>, vector<1024x2000xf32>
    tpu.vector_store %arg16[%swap3A, %swap3A_52], %sub3A {strides = array<i32>} : memref<1024x2000xf32, #tpu.memory_space<vmem>>, vector<1024x2000xf32>,
    %mul3A_54 = arith.constant 2000 : i32
    %mul3A_55 = arith.muli %arg0, %mul3A_54 : i32
    %scan3A = arith.constant 1073741824 : i32
    %scan3A_56 = arith.constant 0 : i32
    %scan3A_57 = arith.constant 17 : i32
    %scan3A_58 = arith.addi %scan3A_56, %scan3A_57 : i32
    %scan3A_59 = arith.constant 1 : i32
    scf.for %scan3A_91 = %scan3A_56 to %scan3A_58 step %scan3A_59  : i32 {
      %get3A_92 = arith.constant 0 : index
      %get3A_93 = arith.constant 0 : index
      %get3A_94 = vector.load %arg16[%get3A_92, %get3A_93] : memref<1024x2000xf32, #tpu.memory_space<vmem>>, vector<1024x2000xf32>
      %iota3A = tpu.iota {dimensions = array<i32: 1>} : vector<1024x2000xi32>
      %add3A_95 = vector.broadcast %mul3A_55 : i32 to vector<1024x2000xi32>
      %add3A_96 = arith.addi %iota3A, %add3A_95 : vector<1024x2000xi32>
      %reduce_min3A = arith.constant dense<0x7F800000> : vector<1024xf32>
      %reduce_min3A_97 = vector.multi_reduction <minimumf>, %get3A_94, %reduce_min3A [1] : vector<1024x2000xf32> to vector<1024xf32>
      %broadcast_in_dim3A_98 = vector.shape_cast %reduce_min3A_97 : vector<1024xf32> to vector<1024x1xf32>
      %eq3A_99 = vector.broadcast %broadcast_in_dim3A_98 : vector<1024x1xf32> to vector<1024x2000xf32>
      %eq3A_100 = arith.cmpf oeq, %get3A_94, %eq3A_99 : vector<1024x2000xf32>
      %broadcast_in_dim3A_101 = vector.broadcast %scan3A : i32 to vector<1024x2000xi32>
      %select_n3A = arith.select %eq3A_100, %add3A_96, %broadcast_in_dim3A_101 : vector<1024x2000xi1>, vector<1024x2000xi32>
      %reduce_min3A_102 = arith.constant dense<2147483647> : vector<1024xi32>
      %reduce_min3A_103 = vector.multi_reduction <minsi>, %select_n3A, %reduce_min3A_102 [1] : vector<1024x2000xi32> to vector<1024xi32>
      %broadcast_in_dim3A_104 = vector.shape_cast %reduce_min3A_103 : vector<1024xi32> to vector<1024x1xi32>
      %eq3A_105 = vector.broadcast %broadcast_in_dim3A_104 : vector<1024x1xi32> to vector<1024x2000xi32>
      %eq3A_106 = arith.cmpi eq, %add3A_96, %eq3A_105 : vector<1024x2000xi32>
      %jit3A = arith.constant 0x7F800000 : f32
      %broadcast_in_dim3A_107 = vector.broadcast %jit3A : f32 to vector<1024x2000xf32>
      %select_n3A_108 = arith.select %eq3A_106, %broadcast_in_dim3A_107, %get3A_94 : vector<1024x2000xi1>, vector<1024x2000xf32>
      %swap3A_109 = arith.constant 0 : index
      %swap3A_110 = arith.constant 0 : index
      %swap3A_111 = vector.load %arg16[%swap3A_109, %swap3A_110] : memref<1024x2000xf32, #tpu.memory_space<vmem>>, vector<1024x2000xf32>
      tpu.vector_store %arg16[%swap3A_109, %swap3A_110], %select_n3A_108 {strides = array<i32>} : memref<1024x2000xf32, #tpu.memory_space<vmem>>, vector<1024x2000xf32>,
      %get3A_112 = arith.constant 0 : index
      %get3A_113 = arith.constant 0 : index
      %get3A_114 = vector.load %arg14[%get3A_112, %get3A_113] : memref<1024x16xf32, #tpu.memory_space<vmem>>, vector<1024x16xf32>
      %get3A_115 = arith.constant 0 : index
      %get3A_116 = arith.constant 0 : index
      %get3A_117 = vector.load %arg15[%get3A_115, %get3A_116] : memref<1024x16xi32, #tpu.memory_space<vmem>>, vector<1024x16xi32>
      %broadcast_in_dim3A_118 = arith.constant 0xFF800000 : f32
      %broadcast_in_dim3A_119 = vector.broadcast %broadcast_in_dim3A_118 : f32 to vector<1024x1xf32>
      %slice3A_120 = vector.extract_strided_slice %get3A_114 {offsets = [0, 0], sizes = [1024, 15], strides = [1, 1]} : vector<1024x16xf32> to vector<1024x15xf32>
      %concatenate3A = tpu.concatenate %broadcast_in_dim3A_119, %slice3A_120 in 1 : vector<1024x1xf32>, vector<1024x15xf32> -> vector<1024x16xf32>
      %broadcast_in_dim3A_121 = arith.constant 0 : i32
      %broadcast_in_dim3A_122 = vector.broadcast %broadcast_in_dim3A_121 : i32 to vector<1024x1xi32>
      %slice3A_123 = vector.extract_strided_slice %get3A_117 {offsets = [0, 0], sizes = [1024, 15], strides = [1, 1]} : vector<1024x16xi32> to vector<1024x15xi32>
      %concatenate3A_124 = tpu.concatenate %broadcast_in_dim3A_122, %slice3A_123 in 1 : vector<1024x1xi32>, vector<1024x15xi32> -> vector<1024x16xi32>
      %le3A = vector.broadcast %broadcast_in_dim3A_98 : vector<1024x1xf32> to vector<1024x16xf32>
      %le3A_125 = arith.cmpf ole, %get3A_114, %le3A : vector<1024x16xf32>
      %not3A = arith.constant dense<true> : vector<1024x16xi1>
      %not3A_126 = arith.xori %le3A_125, %not3A : vector<1024x16xi1>
      %le3A_127 = vector.broadcast %broadcast_in_dim3A_98 : vector<1024x1xf32> to vector<1024x16xf32>
      %le3A_128 = arith.cmpf ole, %concatenate3A, %le3A_127 : vector<1024x16xf32>
      %and3A = arith.andi %not3A_126, %le3A_128 : vector<1024x16xi1>
      %broadcast_in_dim3A_129 = vector.shape_cast %broadcast_in_dim3A_98 : vector<1024x1xf32> to vector<1024x1xf32>
      %broadcast_in_dim3A_130 = vector.broadcast %broadcast_in_dim3A_129 : vector<1024x1xf32> to vector<1024x16xf32>
      %select_n3A_131 = arith.select %and3A, %broadcast_in_dim3A_130, %concatenate3A : vector<1024x16xi1>, vector<1024x16xf32>
      %select_n3A_132 = arith.select %le3A_125, %get3A_114, %select_n3A_131 : vector<1024x16xi1>, vector<1024x16xf32>
      %swap3A_133 = arith.constant 0 : index
      %swap3A_134 = arith.constant 0 : index
      %swap3A_135 = vector.load %arg14[%swap3A_133, %swap3A_134] : memref<1024x16xf32, #tpu.memory_space<vmem>>, vector<1024x16xf32>
      tpu.vector_store %arg14[%swap3A_133, %swap3A_134], %select_n3A_132 {strides = array<i32>} : memref<1024x16xf32, #tpu.memory_space<vmem>>, vector<1024x16xf32>,
      %broadcast_in_dim3A_136 = vector.shape_cast %broadcast_in_dim3A_104 : vector<1024x1xi32> to vector<1024x1xi32>
      %broadcast_in_dim3A_137 = vector.broadcast %broadcast_in_dim3A_136 : vector<1024x1xi32> to vector<1024x16xi32>
      %select_n3A_138 = arith.select %and3A, %broadcast_in_dim3A_137, %concatenate3A_124 : vector<1024x16xi1>, vector<1024x16xi32>
      %select_n3A_139 = arith.select %le3A_125, %get3A_117, %select_n3A_138 : vector<1024x16xi1>, vector<1024x16xi32>
      %swap3A_140 = arith.constant 0 : index
      %swap3A_141 = arith.constant 0 : index
      %swap3A_142 = vector.load %arg15[%swap3A_140, %swap3A_141] : memref<1024x16xi32, #tpu.memory_space<vmem>>, vector<1024x16xi32>
      tpu.vector_store %arg15[%swap3A_140, %swap3A_141], %select_n3A_139 {strides = array<i32>} : memref<1024x16xi32, #tpu.memory_space<vmem>>, vector<1024x16xi32>,
    }
    %get3A_60 = arith.constant 0 : index
    %get3A_61 = arith.constant 0 : index
    %get3A_62 = vector.load %arg14[%get3A_60, %get3A_61] : memref<1024x16xf32, #tpu.memory_space<vmem>>, vector<1024x16xf32>
    %add3A_63 = arith.constant 9.99999997E-7 : f32
    %add3A_64 = vector.broadcast %add3A_63 : f32 to vector<1024x16xf32>
    %add3A_65 = arith.addf %get3A_62, %add3A_64 : vector<1024x16xf32>
    %div3A = arith.constant 1.000000e+00 : f32
    %div3A_66 = vector.broadcast %div3A : f32 to vector<1024x16xf32>
    %div3A_67 = arith.divf %div3A_66, %add3A_65 : vector<1024x16xf32>
    %reduce_sum3A_68 = arith.constant dense<0.000000e+00> : vector<1024xf32>
    %reduce_sum3A_69 = vector.multi_reduction <add>, %div3A_67, %reduce_sum3A_68 [1] : vector<1024x16xf32> to vector<1024xf32>
    %broadcast_in_dim3A_70 = vector.shape_cast %reduce_sum3A_69 : vector<1024xf32> to vector<1024x1xf32>
    %div3A_71 = vector.broadcast %broadcast_in_dim3A_70 : vector<1024x1xf32> to vector<1024x16xf32>
    %div3A_72 = arith.divf %div3A_67, %div3A_71 : vector<1024x16xf32>
    %swap3A_73 = arith.constant 0 : index
    %swap3A_74 = arith.constant 0 : index
    %swap3A_75 = vector.load %arg10[%swap3A_73, %swap3A_74] : memref<1024x16xf32, #tpu.memory_space<vmem>>, vector<1024x16xf32>
    tpu.vector_store %arg10[%swap3A_73, %swap3A_74], %div3A_72 {strides = array<i32>} : memref<1024x16xf32, #tpu.memory_space<vmem>>, vector<1024x16xf32>,
    %get3A_76 = arith.constant 0 : index
    %get3A_77 = arith.constant 0 : index
    %get3A_78 = vector.load %arg15[%get3A_76, %get3A_77] : memref<1024x16xi32, #tpu.memory_space<vmem>>, vector<1024x16xi32>
    %swap3A_79 = arith.constant 0 : index
    %swap3A_80 = arith.constant 0 : index
    %swap3A_81 = vector.load %arg9[%swap3A_79, %swap3A_80] : memref<1024x16xi32, #tpu.memory_space<vmem>>, vector<1024x16xi32>
    tpu.vector_store %arg9[%swap3A_79, %swap3A_80], %get3A_78 {strides = array<i32>} : memref<1024x16xi32, #tpu.memory_space<vmem>>, vector<1024x16xi32>,
    %slice3A = vector.extract_strided_slice %get3A_62 {offsets = [0, 0], sizes = [1024, 1], strides = [1, 1]} : vector<1024x16xf32> to vector<1024x1xf32>
    %add3A_82 = arith.constant 9.99999997E-7 : f32
    %add3A_83 = vector.broadcast %add3A_82 : f32 to vector<1024x1xf32>
    %add3A_84 = arith.addf %slice3A, %add3A_83 : vector<1024x1xf32>
    %div3A_85 = arith.constant 1.000000e+00 : f32
    %div3A_86 = vector.broadcast %div3A_85 : f32 to vector<1024x1xf32>
    %div3A_87 = arith.divf %div3A_86, %add3A_84 : vector<1024x1xf32>
    %swap3A_88 = arith.constant 0 : index
    %swap3A_89 = arith.constant 0 : index
    %swap3A_90 = vector.load %arg11[%swap3A_88, %swap3A_89] : memref<1024x1xf32, #tpu.memory_space<vmem>>, vector<1024x1xf32>
    tpu.vector_store %arg11[%swap3A_88, %swap3A_89], %div3A_87 {strides = array<i32>} : memref<1024x1xf32, #tpu.memory_space<vmem>>, vector<1024x1xf32>,
    return
  }
  func.func @transform_0(%arg0: i32) -> (i32, i32) {
    %c0_i32 = arith.constant 0 : i32
    %c0_i32_0 = arith.constant 0 : i32
    %c0_i32_1 = arith.constant 0 : i32
    return %c0_i32, %c0_i32_0 : i32, i32
  }
  func.func @transform_1(%arg0: i32) -> (i32, i32) {
    %c0_i32 = arith.constant 0 : i32
    %c0_i32_0 = arith.constant 0 : i32
    return %arg0, %c0_i32 : i32, i32
  }
  func.func @transform_2(%arg0: i32) -> (i32, i32) {
    %c0_i32 = arith.constant 0 : i32
    %c0_i32_0 = arith.constant 0 : i32
    %c0_i32_1 = arith.constant 0 : i32
    return %c0_i32, %c0_i32_0 : i32, i32
  }
  func.func @transform_3(%arg0: i32) -> (i32, i32) {
    %c0_i32 = arith.constant 0 : i32
    %c0_i32_0 = arith.constant 0 : i32
    %c0_i32_1 = arith.constant 0 : i32
    return %c0_i32, %c0_i32_0 : i32, i32
  }
  func.func @transform_4(%arg0: i32) -> (i32, i32) {
    %c0_i32 = arith.constant 0 : i32
    %c0_i32_0 = arith.constant 0 : i32
    %c0_i32_1 = arith.constant 0 : i32
    return %c0_i32, %c0_i32_0 : i32, i32
  }
  func.func @transform_5(%arg0: i32) -> (i32, i32) {
    %c0_i32 = arith.constant 0 : i32
    %c0_i32_0 = arith.constant 0 : i32
    %c0_i32_1 = arith.constant 0 : i32
    return %c0_i32, %c0_i32_0 : i32, i32
  }
  func.func @transform_6(%arg0: i32) -> (i32, i32) {
    %c0_i32 = arith.constant 0 : i32
    %c0_i32_0 = arith.constant 0 : i32
    %c0_i32_1 = arith.constant 0 : i32
    return %c0_i32, %c0_i32_0 : i32, i32
  }
  func.func @transform_7(%arg0: i32) -> (i32, i32) {
    %c0_i32 = arith.constant 0 : i32
    %c0_i32_0 = arith.constant 0 : i32
    %c0_i32_1 = arith.constant 0 : i32
    return %c0_i32, %c0_i32_0 : i32, i32
  }
  func.func @transform_8(%arg0: i32) -> (i32, i32) {
    %c0_i32 = arith.constant 0 : i32
    %c0_i32_0 = arith.constant 0 : i32
    %c0_i32_1 = arith.constant 0 : i32
    return %c0_i32, %c0_i32_0 : i32, i32
  }
  func.func @transform_9(%arg0: i32) -> (i32, i32) {
    %c0_i32 = arith.constant 0 : i32
    %c0_i32_0 = arith.constant 0 : i32
    %c0_i32_1 = arith.constant 0 : i32
    return %c0_i32, %c0_i32_0 : i32, i32
  }
  func.func @transform_10(%arg0: i32) -> (i32, i32) {
    %c0_i32 = arith.constant 0 : i32
    %c0_i32_0 = arith.constant 0 : i32
    %c0_i32_1 = arith.constant 0 : i32
    return %c0_i32, %c0_i32_0 : i32, i32
  }
}

module attributes {stable_mosaic.version = 14 : i64} {
  func.func @_combine_body(%arg0: memref<1024x16x128xf32, #tpu.memory_space<vmem>>, %arg1: memref<1024x16xf32, #tpu.memory_space<vmem>>, %arg2: memref<128x256xf32, #tpu.memory_space<vmem>>, %arg3: memref<1x256xf32, #tpu.memory_space<vmem>>, %arg4: memref<256x512xf32, #tpu.memory_space<vmem>>, %arg5: memref<1x512xf32, #tpu.memory_space<vmem>>, %arg6: memref<512x1024xf32, #tpu.memory_space<vmem>>, %arg7: memref<1x1024xf32, #tpu.memory_space<vmem>>, %arg8: memref<1024x1024xf32, #tpu.memory_space<vmem>>) attributes {dimension_semantics = [], scalar_prefetch = 0 : i64, scratch_operands = 0 : i64, tpu.core_type = #tpu.core_type<tc>} {
    %get3A = arith.constant 0 : index
    %get3A_0 = arith.constant 0 : index
    %get3A_1 = vector.load %arg1[%get3A, %get3A_0] : memref<1024x16xf32, #tpu.memory_space<vmem>>, vector<1024x16xf32>
    %get3A_2 = arith.constant 0 : index
    %get3A_3 = arith.constant 0 : index
    %get3A_4 = arith.constant 0 : index
    %get3A_5 = vector.load %arg0[%get3A_2, %get3A_3, %get3A_4] : memref<1024x16x128xf32, #tpu.memory_space<vmem>>, vector<1024x1x128xf32>
    %get3A_6 = vector.shape_cast %get3A_5 : vector<1024x1x128xf32> to vector<1024x128xf32>
    %slice3A = vector.extract_strided_slice %get3A_1 {offsets = [0, 0], sizes = [1024, 1], strides = [1, 1]} : vector<1024x16xf32> to vector<1024x1xf32>
    %mul3A = vector.broadcast %slice3A : vector<1024x1xf32> to vector<1024x128xf32>
    %mul3A_7 = arith.mulf %get3A_6, %mul3A : vector<1024x128xf32>
    %get3A_8 = arith.constant 0 : index
    %get3A_9 = arith.constant 1 : index
    %get3A_10 = arith.constant 0 : index
    %get3A_11 = vector.load %arg0[%get3A_8, %get3A_9, %get3A_10] : memref<1024x16x128xf32, #tpu.memory_space<vmem>>, vector<1024x1x128xf32>
    %get3A_12 = vector.shape_cast %get3A_11 : vector<1024x1x128xf32> to vector<1024x128xf32>
    %slice3A_13 = vector.extract_strided_slice %get3A_1 {offsets = [0, 1], sizes = [1024, 1], strides = [1, 1]} : vector<1024x16xf32> to vector<1024x1xf32>
    %mul3A_14 = vector.broadcast %slice3A_13 : vector<1024x1xf32> to vector<1024x128xf32>
    %mul3A_15 = arith.mulf %get3A_12, %mul3A_14 : vector<1024x128xf32>
    %add3A = arith.addf %mul3A_7, %mul3A_15 : vector<1024x128xf32>
    %get3A_16 = arith.constant 0 : index
    %get3A_17 = arith.constant 2 : index
    %get3A_18 = arith.constant 0 : index
    %get3A_19 = vector.load %arg0[%get3A_16, %get3A_17, %get3A_18] : memref<1024x16x128xf32, #tpu.memory_space<vmem>>, vector<1024x1x128xf32>
    %get3A_20 = vector.shape_cast %get3A_19 : vector<1024x1x128xf32> to vector<1024x128xf32>
    %slice3A_21 = vector.extract_strided_slice %get3A_1 {offsets = [0, 2], sizes = [1024, 1], strides = [1, 1]} : vector<1024x16xf32> to vector<1024x1xf32>
    %mul3A_22 = vector.broadcast %slice3A_21 : vector<1024x1xf32> to vector<1024x128xf32>
    %mul3A_23 = arith.mulf %get3A_20, %mul3A_22 : vector<1024x128xf32>
    %add3A_24 = arith.addf %add3A, %mul3A_23 : vector<1024x128xf32>
    %get3A_25 = arith.constant 0 : index
    %get3A_26 = arith.constant 3 : index
    %get3A_27 = arith.constant 0 : index
    %get3A_28 = vector.load %arg0[%get3A_25, %get3A_26, %get3A_27] : memref<1024x16x128xf32, #tpu.memory_space<vmem>>, vector<1024x1x128xf32>
    %get3A_29 = vector.shape_cast %get3A_28 : vector<1024x1x128xf32> to vector<1024x128xf32>
    %slice3A_30 = vector.extract_strided_slice %get3A_1 {offsets = [0, 3], sizes = [1024, 1], strides = [1, 1]} : vector<1024x16xf32> to vector<1024x1xf32>
    %mul3A_31 = vector.broadcast %slice3A_30 : vector<1024x1xf32> to vector<1024x128xf32>
    %mul3A_32 = arith.mulf %get3A_29, %mul3A_31 : vector<1024x128xf32>
    %add3A_33 = arith.addf %add3A_24, %mul3A_32 : vector<1024x128xf32>
    %get3A_34 = arith.constant 0 : index
    %get3A_35 = arith.constant 4 : index
    %get3A_36 = arith.constant 0 : index
    %get3A_37 = vector.load %arg0[%get3A_34, %get3A_35, %get3A_36] : memref<1024x16x128xf32, #tpu.memory_space<vmem>>, vector<1024x1x128xf32>
    %get3A_38 = vector.shape_cast %get3A_37 : vector<1024x1x128xf32> to vector<1024x128xf32>
    %slice3A_39 = vector.extract_strided_slice %get3A_1 {offsets = [0, 4], sizes = [1024, 1], strides = [1, 1]} : vector<1024x16xf32> to vector<1024x1xf32>
    %mul3A_40 = vector.broadcast %slice3A_39 : vector<1024x1xf32> to vector<1024x128xf32>
    %mul3A_41 = arith.mulf %get3A_38, %mul3A_40 : vector<1024x128xf32>
    %add3A_42 = arith.addf %add3A_33, %mul3A_41 : vector<1024x128xf32>
    %get3A_43 = arith.constant 0 : index
    %get3A_44 = arith.constant 5 : index
    %get3A_45 = arith.constant 0 : index
    %get3A_46 = vector.load %arg0[%get3A_43, %get3A_44, %get3A_45] : memref<1024x16x128xf32, #tpu.memory_space<vmem>>, vector<1024x1x128xf32>
    %get3A_47 = vector.shape_cast %get3A_46 : vector<1024x1x128xf32> to vector<1024x128xf32>
    %slice3A_48 = vector.extract_strided_slice %get3A_1 {offsets = [0, 5], sizes = [1024, 1], strides = [1, 1]} : vector<1024x16xf32> to vector<1024x1xf32>
    %mul3A_49 = vector.broadcast %slice3A_48 : vector<1024x1xf32> to vector<1024x128xf32>
    %mul3A_50 = arith.mulf %get3A_47, %mul3A_49 : vector<1024x128xf32>
    %add3A_51 = arith.addf %add3A_42, %mul3A_50 : vector<1024x128xf32>
    %get3A_52 = arith.constant 0 : index
    %get3A_53 = arith.constant 6 : index
    %get3A_54 = arith.constant 0 : index
    %get3A_55 = vector.load %arg0[%get3A_52, %get3A_53, %get3A_54] : memref<1024x16x128xf32, #tpu.memory_space<vmem>>, vector<1024x1x128xf32>
    %get3A_56 = vector.shape_cast %get3A_55 : vector<1024x1x128xf32> to vector<1024x128xf32>
    %slice3A_57 = vector.extract_strided_slice %get3A_1 {offsets = [0, 6], sizes = [1024, 1], strides = [1, 1]} : vector<1024x16xf32> to vector<1024x1xf32>
    %mul3A_58 = vector.broadcast %slice3A_57 : vector<1024x1xf32> to vector<1024x128xf32>
    %mul3A_59 = arith.mulf %get3A_56, %mul3A_58 : vector<1024x128xf32>
    %add3A_60 = arith.addf %add3A_51, %mul3A_59 : vector<1024x128xf32>
    %get3A_61 = arith.constant 0 : index
    %get3A_62 = arith.constant 7 : index
    %get3A_63 = arith.constant 0 : index
    %get3A_64 = vector.load %arg0[%get3A_61, %get3A_62, %get3A_63] : memref<1024x16x128xf32, #tpu.memory_space<vmem>>, vector<1024x1x128xf32>
    %get3A_65 = vector.shape_cast %get3A_64 : vector<1024x1x128xf32> to vector<1024x128xf32>
    %slice3A_66 = vector.extract_strided_slice %get3A_1 {offsets = [0, 7], sizes = [1024, 1], strides = [1, 1]} : vector<1024x16xf32> to vector<1024x1xf32>
    %mul3A_67 = vector.broadcast %slice3A_66 : vector<1024x1xf32> to vector<1024x128xf32>
    %mul3A_68 = arith.mulf %get3A_65, %mul3A_67 : vector<1024x128xf32>
    %add3A_69 = arith.addf %add3A_60, %mul3A_68 : vector<1024x128xf32>
    %get3A_70 = arith.constant 0 : index
    %get3A_71 = arith.constant 8 : index
    %get3A_72 = arith.constant 0 : index
    %get3A_73 = vector.load %arg0[%get3A_70, %get3A_71, %get3A_72] : memref<1024x16x128xf32, #tpu.memory_space<vmem>>, vector<1024x1x128xf32>
    %get3A_74 = vector.shape_cast %get3A_73 : vector<1024x1x128xf32> to vector<1024x128xf32>
    %slice3A_75 = vector.extract_strided_slice %get3A_1 {offsets = [0, 8], sizes = [1024, 1], strides = [1, 1]} : vector<1024x16xf32> to vector<1024x1xf32>
    %mul3A_76 = vector.broadcast %slice3A_75 : vector<1024x1xf32> to vector<1024x128xf32>
    %mul3A_77 = arith.mulf %get3A_74, %mul3A_76 : vector<1024x128xf32>
    %add3A_78 = arith.addf %add3A_69, %mul3A_77 : vector<1024x128xf32>
    %get3A_79 = arith.constant 0 : index
    %get3A_80 = arith.constant 9 : index
    %get3A_81 = arith.constant 0 : index
    %get3A_82 = vector.load %arg0[%get3A_79, %get3A_80, %get3A_81] : memref<1024x16x128xf32, #tpu.memory_space<vmem>>, vector<1024x1x128xf32>
    %get3A_83 = vector.shape_cast %get3A_82 : vector<1024x1x128xf32> to vector<1024x128xf32>
    %slice3A_84 = vector.extract_strided_slice %get3A_1 {offsets = [0, 9], sizes = [1024, 1], strides = [1, 1]} : vector<1024x16xf32> to vector<1024x1xf32>
    %mul3A_85 = vector.broadcast %slice3A_84 : vector<1024x1xf32> to vector<1024x128xf32>
    %mul3A_86 = arith.mulf %get3A_83, %mul3A_85 : vector<1024x128xf32>
    %add3A_87 = arith.addf %add3A_78, %mul3A_86 : vector<1024x128xf32>
    %get3A_88 = arith.constant 0 : index
    %get3A_89 = arith.constant 10 : index
    %get3A_90 = arith.constant 0 : index
    %get3A_91 = vector.load %arg0[%get3A_88, %get3A_89, %get3A_90] : memref<1024x16x128xf32, #tpu.memory_space<vmem>>, vector<1024x1x128xf32>
    %get3A_92 = vector.shape_cast %get3A_91 : vector<1024x1x128xf32> to vector<1024x128xf32>
    %slice3A_93 = vector.extract_strided_slice %get3A_1 {offsets = [0, 10], sizes = [1024, 1], strides = [1, 1]} : vector<1024x16xf32> to vector<1024x1xf32>
    %mul3A_94 = vector.broadcast %slice3A_93 : vector<1024x1xf32> to vector<1024x128xf32>
    %mul3A_95 = arith.mulf %get3A_92, %mul3A_94 : vector<1024x128xf32>
    %add3A_96 = arith.addf %add3A_87, %mul3A_95 : vector<1024x128xf32>
    %get3A_97 = arith.constant 0 : index
    %get3A_98 = arith.constant 11 : index
    %get3A_99 = arith.constant 0 : index
    %get3A_100 = vector.load %arg0[%get3A_97, %get3A_98, %get3A_99] : memref<1024x16x128xf32, #tpu.memory_space<vmem>>, vector<1024x1x128xf32>
    %get3A_101 = vector.shape_cast %get3A_100 : vector<1024x1x128xf32> to vector<1024x128xf32>
    %slice3A_102 = vector.extract_strided_slice %get3A_1 {offsets = [0, 11], sizes = [1024, 1], strides = [1, 1]} : vector<1024x16xf32> to vector<1024x1xf32>
    %mul3A_103 = vector.broadcast %slice3A_102 : vector<1024x1xf32> to vector<1024x128xf32>
    %mul3A_104 = arith.mulf %get3A_101, %mul3A_103 : vector<1024x128xf32>
    %add3A_105 = arith.addf %add3A_96, %mul3A_104 : vector<1024x128xf32>
    %get3A_106 = arith.constant 0 : index
    %get3A_107 = arith.constant 12 : index
    %get3A_108 = arith.constant 0 : index
    %get3A_109 = vector.load %arg0[%get3A_106, %get3A_107, %get3A_108] : memref<1024x16x128xf32, #tpu.memory_space<vmem>>, vector<1024x1x128xf32>
    %get3A_110 = vector.shape_cast %get3A_109 : vector<1024x1x128xf32> to vector<1024x128xf32>
    %slice3A_111 = vector.extract_strided_slice %get3A_1 {offsets = [0, 12], sizes = [1024, 1], strides = [1, 1]} : vector<1024x16xf32> to vector<1024x1xf32>
    %mul3A_112 = vector.broadcast %slice3A_111 : vector<1024x1xf32> to vector<1024x128xf32>
    %mul3A_113 = arith.mulf %get3A_110, %mul3A_112 : vector<1024x128xf32>
    %add3A_114 = arith.addf %add3A_105, %mul3A_113 : vector<1024x128xf32>
    %get3A_115 = arith.constant 0 : index
    %get3A_116 = arith.constant 13 : index
    %get3A_117 = arith.constant 0 : index
    %get3A_118 = vector.load %arg0[%get3A_115, %get3A_116, %get3A_117] : memref<1024x16x128xf32, #tpu.memory_space<vmem>>, vector<1024x1x128xf32>
    %get3A_119 = vector.shape_cast %get3A_118 : vector<1024x1x128xf32> to vector<1024x128xf32>
    %slice3A_120 = vector.extract_strided_slice %get3A_1 {offsets = [0, 13], sizes = [1024, 1], strides = [1, 1]} : vector<1024x16xf32> to vector<1024x1xf32>
    %mul3A_121 = vector.broadcast %slice3A_120 : vector<1024x1xf32> to vector<1024x128xf32>
    %mul3A_122 = arith.mulf %get3A_119, %mul3A_121 : vector<1024x128xf32>
    %add3A_123 = arith.addf %add3A_114, %mul3A_122 : vector<1024x128xf32>
    %get3A_124 = arith.constant 0 : index
    %get3A_125 = arith.constant 14 : index
    %get3A_126 = arith.constant 0 : index
    %get3A_127 = vector.load %arg0[%get3A_124, %get3A_125, %get3A_126] : memref<1024x16x128xf32, #tpu.memory_space<vmem>>, vector<1024x1x128xf32>
    %get3A_128 = vector.shape_cast %get3A_127 : vector<1024x1x128xf32> to vector<1024x128xf32>
    %slice3A_129 = vector.extract_strided_slice %get3A_1 {offsets = [0, 14], sizes = [1024, 1], strides = [1, 1]} : vector<1024x16xf32> to vector<1024x1xf32>
    %mul3A_130 = vector.broadcast %slice3A_129 : vector<1024x1xf32> to vector<1024x128xf32>
    %mul3A_131 = arith.mulf %get3A_128, %mul3A_130 : vector<1024x128xf32>
    %add3A_132 = arith.addf %add3A_123, %mul3A_131 : vector<1024x128xf32>
    %get3A_133 = arith.constant 0 : index
    %get3A_134 = arith.constant 15 : index
    %get3A_135 = arith.constant 0 : index
    %get3A_136 = vector.load %arg0[%get3A_133, %get3A_134, %get3A_135] : memref<1024x16x128xf32, #tpu.memory_space<vmem>>, vector<1024x1x128xf32>
    %get3A_137 = vector.shape_cast %get3A_136 : vector<1024x1x128xf32> to vector<1024x128xf32>
    %slice3A_138 = vector.extract_strided_slice %get3A_1 {offsets = [0, 15], sizes = [1024, 1], strides = [1, 1]} : vector<1024x16xf32> to vector<1024x1xf32>
    %mul3A_139 = vector.broadcast %slice3A_138 : vector<1024x1xf32> to vector<1024x128xf32>
    %mul3A_140 = arith.mulf %get3A_137, %mul3A_139 : vector<1024x128xf32>
    %add3A_141 = arith.addf %add3A_132, %mul3A_140 : vector<1024x128xf32>
    %get3A_142 = arith.constant 0 : index
    %get3A_143 = arith.constant 0 : index
    %get3A_144 = vector.load %arg2[%get3A_142, %get3A_143] : memref<128x256xf32, #tpu.memory_space<vmem>>, vector<128x256xf32>
    %get3A_145 = arith.constant 0 : index
    %get3A_146 = arith.constant 0 : index
    %get3A_147 = vector.load %arg3[%get3A_145, %get3A_146] : memref<1x256xf32, #tpu.memory_space<vmem>>, vector<1x256xf32>
    %get3A_148 = arith.constant 0 : index
    %get3A_149 = arith.constant 0 : index
    %get3A_150 = vector.load %arg4[%get3A_148, %get3A_149] : memref<256x512xf32, #tpu.memory_space<vmem>>, vector<256x512xf32>
    %get3A_151 = arith.constant 0 : index
    %get3A_152 = arith.constant 0 : index
    %get3A_153 = vector.load %arg5[%get3A_151, %get3A_152] : memref<1x512xf32, #tpu.memory_space<vmem>>, vector<1x512xf32>
    %get3A_154 = arith.constant 0 : index
    %get3A_155 = arith.constant 0 : index
    %get3A_156 = vector.load %arg6[%get3A_154, %get3A_155] : memref<512x1024xf32, #tpu.memory_space<vmem>>, vector<512x1024xf32>
    %get3A_157 = arith.constant 0 : index
    %get3A_158 = arith.constant 0 : index
    %get3A_159 = vector.load %arg7[%get3A_157, %get3A_158] : memref<1x1024xf32, #tpu.memory_space<vmem>>, vector<1x1024xf32>
    %dot_general3A = arith.constant dense<0.000000e+00> : vector<1024x256xf32>
    %dot_general3A_160 = tpu.matmul %add3A_141, %get3A_144, %dot_general3A {dimension_numbers = #tpu.dot_dimension_numbers<[1], [0], [0], [1], [0, 0, 1, 1], [], []>, transpose_lhs_hint = false} : vector<1024x128xf32>, vector<128x256xf32>, vector<1024x256xf32> -> vector<1024x256xf32>
    %add3A_161 = vector.broadcast %get3A_147 : vector<1x256xf32> to vector<1024x256xf32>
    %add3A_162 = arith.addf %dot_general3A_160, %add3A_161 : vector<1024x256xf32>
    %max3A = arith.constant 0.000000e+00 : f32
    %max3A_163 = vector.broadcast %max3A : f32 to vector<1024x256xf32>
    %max3A_164 = arith.maximumf %add3A_162, %max3A_163 : vector<1024x256xf32>
    %dot_general3A_165 = arith.constant dense<0.000000e+00> : vector<1024x512xf32>
    %dot_general3A_166 = tpu.matmul %max3A_164, %get3A_150, %dot_general3A_165 {dimension_numbers = #tpu.dot_dimension_numbers<[1], [0], [0], [1], [0, 0, 1, 1], [], []>, transpose_lhs_hint = false} : vector<1024x256xf32>, vector<256x512xf32>, vector<1024x512xf32> -> vector<1024x512xf32>
    %add3A_167 = vector.broadcast %get3A_153 : vector<1x512xf32> to vector<1024x512xf32>
    %add3A_168 = arith.addf %dot_general3A_166, %add3A_167 : vector<1024x512xf32>
    %max3A_169 = arith.constant 0.000000e+00 : f32
    %max3A_170 = vector.broadcast %max3A_169 : f32 to vector<1024x512xf32>
    %max3A_171 = arith.maximumf %add3A_168, %max3A_170 : vector<1024x512xf32>
    %dot_general3A_172 = arith.constant dense<0.000000e+00> : vector<1024x1024xf32>
    %dot_general3A_173 = tpu.matmul %max3A_171, %get3A_156, %dot_general3A_172 {dimension_numbers = #tpu.dot_dimension_numbers<[1], [0], [0], [1], [0, 0, 1, 1], [], []>, transpose_lhs_hint = false} : vector<1024x512xf32>, vector<512x1024xf32>, vector<1024x1024xf32> -> vector<1024x1024xf32>
    %add3A_174 = vector.broadcast %get3A_159 : vector<1x1024xf32> to vector<1024x1024xf32>
    %add3A_175 = arith.addf %dot_general3A_173, %add3A_174 : vector<1024x1024xf32>
    %swap3A = arith.constant 0 : index
    %swap3A_176 = arith.constant 0 : index
    %swap3A_177 = vector.load %arg8[%swap3A, %swap3A_176] : memref<1024x1024xf32, #tpu.memory_space<vmem>>, vector<1024x1024xf32>
    tpu.vector_store %arg8[%swap3A, %swap3A_176], %add3A_175 {strides = array<i32>} : memref<1024x1024xf32, #tpu.memory_space<vmem>>, vector<1024x1024xf32>,
    return
  }
}

</mosaic_0001>

<sc_bundles>
// kernel: kernel.5.cloned.1.call-start
scs
__scs_entry_jumppad:
0x0: {  	(pc) =	sbr.rel $0x88, $3  }
0x1: {  	(tag) =	ssettag $0x0;
	lr =	simm.s32 $0x1  }
0x2: {  	[smem:$0x3F92] =	sst lr;
	_ =	strace $0xD0000000  }
0x3: {  	_ = 	snop  }
0x4: {  	_ = 	snop  }
0x5: {  	_ = 	snop  }
0x6: {  	_ = 	snop  }
0x7: {  	_ = 	snop  }
__scs_overlays_trampoline_lowered:
0x8: {  	[smem:$0x3FA1] =	sst s0  }
0x9: {  	[smem:$0x3FA2] =	sst s1  }
0xa: {  	[smem:$0x3FA3] =	sst s2  }
0xb: {  	[smem:$0x3FA4] =	sst s3  }
0xc: {  	[smem:$0x3FA5] =	sst s4  }
0xd: {  	[smem:$0x3FA6] =	sst s5  }
0xe: {  	[smem:$0x3FA7] =	sst s6  }
0xf: {  	[smem:$0x3FA8] =	sst s7  }
0x10: {  	[smem:$0x3FA9] =	sst s8  }
0x11: {  	[smem:$0x3FAA] =	sst s9;
	s0 =	simm.s32 @!p0 $0x0  }
0x12: {  	s1 =	sld [smem:$0x3F90];
	s0 =	simm.s32 @p0 $0x1  }
0x13: {  	[smem:$0x3FAB] =	sst s0;
	s0 =	simm.s32 @!p1 $0x0  }
0x14: {  	s2 =	sld [smem:$0x3F8F];
	s0 =	simm.s32 @p1 $0x1  }
0x15: {  	[smem:$0x3FAC] =	sst s0;
	s0 =	simm.s32 @!p2 $0x0  }
0x16: {  	s3 =	sld [smem:$0x3FDB];
	s0 =	simm.s32 @p2 $0x1  }
0x17: {  	s4 =	simm.s32 $0x1BF5;
	[smem:$0x3FAE] =	sst s0  }
0x18: {  	s0 =	sld [smem:$0x3F91];
	_ =	swait.ge [sflag:s4], $0x0  }
0x19: {  	s7 =	sld [smem:$0x3F92]  }
0x1a: {  	s8 =	sadd.s32 $0xFFFFE003, lr  }
0x1b: {  	s9 =	sadd.s32 $0xFFFFFEF7, lr;
	s5 =	simm.s32 $0xFFFFFFFF;
	p2 =	slt.u32 s8, $0xFFFFF086  }
0x1c: {  	p1 =	slt.u32 s9, $0xF7A;
	s5 =	simm.s32 @!p2 $0x0  }
0x1d: {  	s5 =	simm.s32 @p1 $0x1;
	p0 =	seq.s32 s7, s2  }
0x1e: {  	s7 =	smul.u32 @!p0 $0xF7A, s2;
	p2 =	seq.s32 @!p0 s5, $0x0  }
0x1f: {  	s9 =	smul.u32 $0xF7A, s1;
	s8 =	simm.s32 @!p0 $0x1BF5;
	p2 =	por !p2, p0  }
0x20: {  	[sflag:s8] =	ssyncset.s32 @!p0 $0xFFFFF086;
	s6 =	sadd.s32 @!p0 s3, s7;
	s7 =	simm.s32 @!p0 $0x108  }
0x21: {  	s3 =	sadd.s32 s3, s9;
	s6 =	sadd.s32 @!p0 $0x88, s6;
	s7 =	simm.s32 @p2 $0x1082  }
0x22: {  	[simem:s7], [sflag:s8] =	dma.local @!p0 [hbm:s6], $0xF7A  }
0x23: {  	s9 =	sor.u32 $0xD0000000, s2;
	s6 =	simm.s32 $0x108;
	_ =	swait.ge @!p0 [sflag:s8], $0x0  }
0x24: {  	s3 =	sadd.s32 $0x88, s3;
	s6 =	simm.s32 @!p1 $0x1082;
	[sflag:s4] =	ssyncset.s32 $0xFFFFF086  }
0x25: {  	[simem:s6], [sflag:s4] =	dma.local [hbm:s3], $0xF7A  }
0x26: {  	[smem:$0x3F92] =	sst s1;
	(tag) =	ssettag s2;
	_ =	strace s9  }
0x27: {  	s1 =	sld [smem:$0x3FA2]  }
0x28: {  	s2 =	sld [smem:$0x3FA3]  }
0x29: {  	s4 =	sld [smem:$0x3FA5]  }
0x2a: {  	p0 =	seq.s32 s5, $0x0;
	s5 =	sld [smem:$0x3FA6]  }
0x2b: {  	s6 =	sld [smem:$0x3FA7]  }
0x2c: {  	s7 =	sld [smem:$0x3FA8]  }
0x2d: {  	s3 =	simm.s32 $0x108;
	s8 =	sld [smem:$0x3FA9]  }
0x2e: {  	s3 =	simm.s32 @!p0 $0x1082;
	s9 =	sld [smem:$0x3FAA]  }
0x2f: {  	lr =	sadd.s32 s0, s3;
	s0 =	sld [smem:$0x3FA1]  }
0x30: {  	s3 =	sld [smem:$0x3FA4]  }
0x31: {  	[smem:$0x3FAD] =	sst s10  }
0x32: {  	s10 =	sld [smem:$0x3FAB];
	_ =	sdelay $0x3  }
0x33: {  	p0 =	seq.s32 s10, $0x1;
	s10 =	sld [smem:$0x3FAD];
	_ =	sdelay $0x3  }
0x34: {  	[smem:$0x3FAD] =	sst s10  }
0x35: {  	s10 =	sld [smem:$0x3FAC];
	_ =	sdelay $0x3  }
0x36: {  	p1 =	seq.s32 s10, $0x1;
	s10 =	sld [smem:$0x3FAD];
	_ =	sdelay $0x3  }
0x37: {  	[smem:$0x3FAD] =	sst s10  }
0x38: {  	s10 =	sld [smem:$0x3FAE]  }
0x39: {  	_ = 	snop;
	(pc) =	sbr.ind lr, $3  }
0x3a: {  	_ = 	snop  }
0x3b: {  	_ = 	snop  }
0x3c: {  	p2 =	seq.s32 s10, $0x1;
	s10 =	sld [smem:$0x3FAD]  }
0x3d: {  	_ =	shalt  }
0x3e: {  	_ =	shalt  }
0x3f: {  	_ =	shalt  }
0x40: {  	_ =	shalt  }
0x41: {  	_ =	shalt  }
0x42: {  	_ =	shalt  }
0x43: {  	_ =	shalt  }
0x44: {  	_ =	shalt  }
0x45: {  	_ =	shalt  }
0x46: {  	_ =	shalt  }
0x47: {  	_ =	shalt  }
0x48: {  	_ =	shalt  }
0x49: {  	_ =	shalt  }
0x4a: {  	_ =	shalt  }
0x4b: {  	_ =	shalt  }
0x4c: {  	_ =	shalt  }
0x4d: {  	_ =	shalt  }
0x4e: {  	_ =	shalt  }
0x4f: {  	_ =	shalt  }
0x50: {  	_ =	shalt  }
0x51: {  	_ =	shalt  }
0x52: {  	_ =	shalt  }
0x53: {  	_ =	shalt  }
0x54: {  	_ =	shalt  }
0x55: {  	_ =	shalt  }
0x56: {  	_ =	shalt  }
0x57: {  	_ =	shalt  }
0x58: {  	_ =	shalt  }
0x59: {  	_ =	shalt  }
0x5a: {  	_ =	shalt  }
0x5b: {  	_ =	shalt  }
0x5c: {  	_ =	shalt  }
0x5d: {  	_ =	shalt  }
0x5e: {  	_ =	shalt  }
0x5f: {  	_ =	shalt  }
0x60: {  	_ =	shalt  }
0x61: {  	_ =	shalt  }
0x62: {  	_ =	shalt  }
0x63: {  	_ =	shalt  }
0x64: {  	_ =	shalt  }
0x65: {  	_ =	shalt  }
0x66: {  	_ =	shalt  }
0x67: {  	_ =	shalt  }
0x68: {  	_ =	shalt  }
0x69: {  	_ =	shalt  }
0x6a: {  	_ =	shalt  }
0x6b: {  	_ =	shalt  }
0x6c: {  	_ =	shalt  }
0x6d: {  	_ =	shalt  }
0x6e: {  	_ =	shalt  }
0x6f: {  	_ =	shalt  }
0x70: {  	_ =	shalt  }
0x71: {  	_ =	shalt  }
0x72: {  	_ =	shalt  }
0x73: {  	_ =	shalt  }
0x74: {  	_ =	shalt  }
0x75: {  	_ =	shalt  }
0x76: {  	_ =	shalt  }
0x77: {  	_ =	shalt  }
0x78: {  	_ =	shalt  }
0x79: {  	_ =	shalt  }
0x7a: {  	_ =	shalt  }
0x7b: {  	_ =	shalt  }
0x7c: {  	_ =	shalt  }
0x7d: {  	_ =	shalt  }
0x7e: {  	_ =	shalt  }
0x7f: {  	_ =	shalt  }
0x80: {  	_ =	shalt  }
0x81: {  	_ =	shalt  }
0x82: {  	_ =	shalt  }
0x83: {  	_ =	shalt  }
0x84: {  	_ =	shalt  }
0x85: {  	_ =	shalt  }
0x86: {  	_ =	shalt  }
0x87: {  	_ =	shalt  }
.Lfunc_end0:
.L_simem_size_0:
called_computation_lowered:
.L_overlay_start_0:
0x88: {  	s2 =	sld [smem:$0x3FD9]  }
0x89: {  	s3 =	sld [smem:$0x3FFE];
	_ =	sdelay $0x1  }
0x8a: {  	s1 =	srdreg.scid  }
0x8b: {  	s0 =	sand.u32 $0x1, s1  }
0x8c: {  	s14 =	sshll.u32 s0, $0xA;
	s2 =	sadd.s32 s3, s2  }
0x8d: {  	s2 =	sadd.s32 s2, s14  }
0x8e: {  	[smem:$0x3FB9] =	sst s2  }
0x8f: {  	_ = 	snop  }
0x90: {  	s2 =	sld [smem:$0x3FD0];
	_ =	sdelay $0x2  }
0x91: {  	s4 =	simm.s32 $0xA;
	s5 =	simm.s32 $0x10;
	s15 =	sld [smem:$0x3FC7]  }
0x92: {  	[smem:s5], [sflag:s4] =	dma.local [hbm:s2], $0x1  }
0x93: {  	_ =	swait.eq [sflag:s4], $0x1  }
0x94: {  	[sflag:s4] =	ssyncset.done $0x0  }
0x95: {  	[sflag:s4] =	ssyncadd.s32 $0xFFFFFFFF  }
0x96: {  	s16 =	sld [smem:$0x10];
	(tm) =	ssettm $0x1  }
0x97: {  	s17 =	sld [smem:$0x3FFB];
	_ =	sdelay $0x3  }
0x98: {  	_ =	strace s17  }
0x99: {  	s4 =	sld [smem:$0x3FFC];
	_ =	sdelay $0x3  }
0x9a: {  	_ =	strace s4  }
0x9b: {  	s4 =	sld [smem:$0x3FFD];
	_ =	sdelay $0x3  }
0x9c: {  	_ =	strace s4  }
0x9d: {  	_ =	strace $0x8FFFFFFF  }
0x9e: {  	s18 =	sld [smem:$0x3FDB];
	_ =	sdelay $0x1  }
0x9f: {  	s19 =	simm.s32 $_scs_section_size  }
0xa0: {  	s6 =	simm.s32 $_size__tile_overlayer_lowered;
	s7 =	simm.s32 $_tile_overlayer_lowered  }
0xa1: {  	s22 =	simm.s32 $0x1BFF;
	s21 =	sshll.u32 s7, $0x1;
	s4 =	sadd.s32 s19, s18  }
0xa2: {  	s8 =	simm.s32 $0x0;
	s20 =	sshll.u32 s6, $0x1;
	s6 =	sadd.s32 s21, s4  }
0xa3: {  	[timem:s8], [sflag:s22] =	dma.local [hbm:s6], s20  }
0xa4: {  	_ =	swait.ge [sflag:s22], s20  }
0xa5: {  	s5 =	ssub.s32 $0x0, s20;
	[sflag:s22] =	ssyncset.done $0x0  }
0xa6: {  	[sflag:s22] =	ssyncadd.s32 s5;
	_ =	sdelay $0x1  }
0xa7: {  	s23 =	simm.s32 $0x1B8B  }
0xa8: {  	_ =	swait.ge [sflag:s23], $0x1  }
0xa9: {  	[sflag:s23] =	ssyncset.done $0x0  }
0xaa: {  	s25 =	simm.s32 $0x1B8E;
	s24 =	sld [smem:$0x3FFE];
	[sflag:s23] =	ssyncadd.s32 $0xFFFFFFFF  }
0xab: {  	s26 =	simm.s32 $execute0_lowered;
	[smem:$0x3FD2] =	sst s25  }
0xac: {  	s6 =	sshll.u32 s26, $0x1;
	_ =	strace $0x80000046;
	[dreg:$0x1] =	wrdreg $0xFFFFFFFF  }
0xad: {  	s28 =	simm.s32 $_size_execute0_lowered;
	s4 =	sadd.s32 s4, s6;
	[dreg:$0x0] =	wrdreg $0x0  }
0xae: {  	s6 =	sshll.u32 s28, $0x1;
	[dreg:$0x2] =	wrdreg s4  }
0xaf: {  	[dreg:$0x3] =	wrdreg s6  }
0xb0: {  	[dreg:$0x4] =	wrdreg $0xC0  }
0xb1: {  	_ =	task [dreg:s8], $0x5FFFF  }
0xb2: {  	[dreg:$0x1] =	wrdreg $0xFFFFFFFF  }
0xb3: {  	[dreg:$0x0] =	wrdreg $0x60  }
0xb4: {  	[dreg:$0x2] =	wrdreg s15  }
0xb5: {  	[dreg:$0x3] =	wrdreg s16  }
0xb6: {  	[dreg:$0x4] =	wrdreg s24  }
0xb7: {  	[dreg:$0x5] =	wrdreg $0x9  }
0xb8: {  	_ =	task.clear_ibuf [dreg:s8], $0x6FFFF;
	_ =	strace $0x90000046  }
0xb9: {  	s29 =	simm.s32 $0x9;
	_ =	strace $0x80000048  }
0xba: {  	_ =	swait.ge [sflag:s29], $0x1  }
0xbb: {  	[sflag:s29] =	ssyncadd.s32 $0xFFFFFFFF  }
0xbc: {  	_ =	strace $0x90000048  }
0xbd: {  	_ =	sfence  }
0xbe: {  	s30 =	sld [smem:$0x0];
	_ =	sdelay $0x2  }
0xbf: {  	s31 =	sshll.u32 s1, $0xD;
	s1 =	sshrl.u32 s1, $0x2  }
0xc0: {  	s3 =	sand.u32 $0x4000, s31;
	s1 =	sadd.s32 s1, s30  }
0xc1: {  	s0 =	sor.u32 s3, s0;
	s1 =	sshll.u32 s1, $0x11  }
0xc2: {  	s0 =	sor.u32 s1, s0  }
0xc3: {  	s0 =	sadd.s32 $0x8F2B, s0  }
0xc4: {  	[sflag:s0] =	ssyncadd.remote.s32 $0x1  }
0xc5: {  	_ =	sfence.sel $0xFFFF  }
0xc6: {  	[dreg:$0x0] =	wrdreg $0xFFFFFFFF;
	(pc) =	sbr.abs _section_cstart, $3  }
0xc7: {  	[dreg:$0x1] =	wrdreg $0xFFFFFFFF  }
0xc8: {  	_ =	task.clear_ibuf [dreg:s8], $0x2FFFF;
	_ =	strace $0x9FFFFFFF  }
0xc9: {  	(tm) =	ssettm $0x7FFFFFFF  }
tec
execute0_lowered:
.L_overlay_start_1:
0x0: {  	(tag) =	ssettag $0x1  }
0x1: {  	s1 =	rddreg [dreg:$0x0]  }
0x2: {  	s4 =	rddreg [dreg:$0x1]  }
0x3: {  	s14 =	rddreg [dreg:$0x2];
	s2 =	srdreg.scid  }
0x4: {  	s0 =	rddreg [dreg:$0x3];
	s15 =	sand.u32 $0x1, s2  }
0x5: {  	s3 =	simm.s32 $0x0;
	s2 =	stileid.u32;
	s5 =	sshll.u32 s15, $0x6  }
0x6: {  	[smem:$0x7FF] =	sst s3;
	s6 =	sshll.u32 s2, $0x7;
	s4 =	sadd.s32 s4, s5  }
0x7: {  	_ =	strace $0x80000047;
	s5 =	sadd.s32 s6, s4;
	s4 =	simm.s32 $0x2  }
0x8: {  	[tilespmem:s3], [sflag:$0x2] =	stream.linear.gather [hbm4b:s5+s3], $0x200, $0x38;
	[tilespmem:$0x10200] =	vst v63  }
0x9: {  	_ =	swait.ge [sflag:s4], $0x200  }
0xa: {  	[sflag:s4] =	ssyncset.done $0x0  }
0xb: {  	s7 =	simm.s32 $0x200;
	s6 =	simm.s32 $0x80;
	[sflag:s4] =	ssyncadd.s32 $0xFFFFFE00  }
0xc: {  	[tilespmem:s7], [sflag:$0x1] =	stream.indirect.gather [hbm4b:s1+s6], $0x80, s3, s6, $0xb8;
	[tilespmem:$0x10200] =	vst v63  }
0xd: {  	s8 =	simm.s32 $0x4200  }
0xe: {  	[tilespmem:s8], [sflag:$0x1] =	stream.indirect.gather [hbm4b:s1+s6], $0x80, s6, s6, $0xb8;
	[tilespmem:$0x10200] =	vst v63  }
0xf: {  	s9 =	simm.s32 $0x100;
	s10 =	simm.s32 $0x8200  }
0x10: {  	[tilespmem:s10], [sflag:$0x1] =	stream.indirect.gather [hbm4b:s1+s6], $0x80, s9, s6, $0xb8;
	[tilespmem:$0x10200] =	vst v63  }
0x11: {  	s11 =	simm.s32 $0x180;
	s12 =	simm.s32 $0xC200;
	s13 =	simm.s32 $0x1  }
0x12: {  	[tilespmem:s12], [sflag:$0x1] =	stream.indirect.gather [hbm4b:s1+s6], $0x80, s11, s6, $0xb8;
	[tilespmem:$0x10200] =	vst v63  }
0x13: {  	_ =	swait.ge [sflag:s13], $0x4000  }
0x14: {  	[sflag:s13] =	ssyncset.done $0x0  }
0x15: {  	[sflag:s13] =	ssyncadd.s32 $0xFFFFC000  }
0x16: {  	_ =	swait.ge [sflag:s13], $0x4000  }
0x17: {  	[sflag:s13] =	ssyncset.done $0x0  }
0x18: {  	s16 =	sshll.u32 s15, $0xD;
	s15 =	ssub.s32 $0x2, s15;
	[sflag:s13] =	ssyncadd.s32 $0xFFFFC000  }
0x19: {  	s31 =	sshrl.u32 s15, $0x1;
	_ =	swait.ge [sflag:s13], $0x4000  }
0x1a: {  	s15 =	ssub.s32 s15, s31;
	[sflag:s13] =	ssyncset.done $0x0  }
0x1b: {  	s17 =	sshll.u32 s2, $0xE;
	s15 =	smax.u32 s15, $0x1;
	[sflag:s13] =	ssyncadd.s32 $0xFFFFC000  }
0x1c: {  	s14 =	sadd.s32 s16, s14;
	p0 =	sne.s32 s15, $0x1;
	_ =	swait.ge [sflag:s13], $0x4000  }
.Ltmp0:
0x1d: {  	s14 =	sadd.s32 s17, s14;
	[sflag:s13] =	ssyncset.done $0x0;
	(pc) =	sbr.rel @!p0 .LBB2_2-.Ltmp0, $4  }
0x1e: {  	s14 =	sadd.s32 $0x1E00, s14;
	[sflag:s13] =	ssyncadd.s32 $0xFFFFC000  }
0x1f: {  	[hbm4b:s14+s3] =	stream.linear.scatter [tilespmem:s7], [sflag:$0x2], $0x10000, $0x38;
	[tilespmem:$0x10200] =	vst v63  }
0x20: {  	_ =	swait.ge [sflag:s4], $0x10000  }
0x21: {  	s15 =	sadd.s32 $0xFFFFFFFF, s15;
	[sflag:s4] =	ssyncset.done $0x0  }
.LBB2_1:
0x22: {  	p0 =	sne.s32 s15, $0x1;
	s15 =	sadd.s32 $0xFFFFFFFF, s15;
	[sflag:s4] =	ssyncadd.s32 $0xFFFF0000  }
0x23: {  	[tilespmem:s3], [sflag:$0x2] =	stream.linear.gather [hbm4b:s5+s3], $0x200, $0x38;
	[tilespmem:$0x10200] =	vst v63  }
0x24: {  	_ =	swait.ge [sflag:s4], $0x200  }
0x25: {  	[sflag:s4] =	ssyncset.done $0x0  }
0x26: {  	[sflag:s4] =	ssyncadd.s32 $0xFFFFFE00  }
0x27: {  	[tilespmem:s7], [sflag:$0x1] =	stream.indirect.gather [hbm4b:s1+s6], $0x80, s3, s6, $0xb8;
	[tilespmem:$0x10200] =	vst v63  }
0x28: {  	_ = 	snop  }
0x29: {  	[tilespmem:s8], [sflag:$0x1] =	stream.indirect.gather [hbm4b:s1+s6], $0x80, s6, s6, $0xb8;
	[tilespmem:$0x10200] =	vst v63  }
0x2a: {  	_ = 	snop  }
0x2b: {  	[tilespmem:s10], [sflag:$0x1] =	stream.indirect.gather [hbm4b:s1+s6], $0x80, s9, s6, $0xb8;
	[tilespmem:$0x10200] =	vst v63  }
0x2c: {  	_ = 	snop  }
0x2d: {  	[tilespmem:s12], [sflag:$0x1] =	stream.indirect.gather [hbm4b:s1+s6], $0x80, s11, s6, $0xb8;
	[tilespmem:$0x10200] =	vst v63  }
0x2e: {  	_ =	swait.ge [sflag:s13], $0x4000  }
0x2f: {  	[sflag:s13] =	ssyncset.done $0x0  }
0x30: {  	[sflag:s13] =	ssyncadd.s32 $0xFFFFC000  }
0x31: {  	_ =	swait.ge [sflag:s13], $0x4000  }
0x32: {  	[sflag:s13] =	ssyncset.done $0x0  }
0x33: {  	[sflag:s13] =	ssyncadd.s32 $0xFFFFC000  }
0x34: {  	_ =	swait.ge [sflag:s13], $0x4000  }
0x35: {  	[sflag:s13] =	ssyncset.done $0x0  }
0x36: {  	[sflag:s13] =	ssyncadd.s32 $0xFFFFC000  }
0x37: {  	_ =	swait.ge [sflag:s13], $0x4000  }
.Ltmp1:
0x38: {  	[sflag:s13] =	ssyncset.done $0x0;
	(pc) =	sbr.rel @p0 .LBB2_1-.Ltmp1, $4  }
0x39: {  	[sflag:s13] =	ssyncadd.s32 $0xFFFFC000  }
0x3a: {  	[hbm4b:s14+s3] =	stream.linear.scatter [tilespmem:s7], [sflag:$0x2], $0x10000, $0x38;
	[tilespmem:$0x10200] =	vst v63  }
0x3b: {  	_ =	swait.ge [sflag:s4], $0x10000  }
0x3c: {  	[sflag:s4] =	ssyncset.done $0x0  }
.LBB2_2:
0x3d: {  	[sflag:s4] =	ssyncadd.s32 $0xFFFF0000  }
0x3e: {  	_ =	sfence.sel $0x180000  }
0x3f: {  	[bflag:$0x0] =	sbarrier.arrive $0xFFFF  }
0x40: {  	p0 =	sne.s32 s2, $0x0;
	_ =	strace $0x90000047  }
0x41: {  	s0 =	sadd.s32 @!p0 $0x100000, s0;
	[bflag:$0x2] =	sbarrier.arrive $0xFFFF  }
0x42: {  	[sflag:s0] =	ssyncadd.tile.s32 @!p0 $0x1;
	_ =	shalt  }
.Lfunc_end2:
_tile_overlayer_lowered:
.L_overlay_start_2:
0x43: {  	(tag) =	ssettag $0x2  }
0x44: {  	s0 =	rddreg [dreg:$0x0];
	s2 =	stileid.u32  }
0x45: {  	s1 =	rddreg [dreg:$0x1];
	p0 =	sne.s32 s2, $0x0  }
0x46: {  	s3 =	rddreg [dreg:$0x2];
	[bflag:$0x3] =	sbarrier.arrive $0xFFFF;
	s2 =	simm.s32 @!p0 $0x1C02  }
0x47: {  	[timem:s3], [sflag:s2] =	dma.local @!p0 [hbm:s0], s1  }
0x48: {  	s0 =	simm.s32 @!p0 $0x2  }
0x49: {  	_ =	swait.ge @!p0 [sflag:s0], s1  }
0x4a: {  	s1 =	ssub.s32 @!p0 $0x0, s1;
	[sflag:s0] =	ssyncset.done @!p0 $0x0  }
0x4b: {  	[sflag:s0] =	ssyncadd.s32 @!p0 s1  }
0x4c: {  	[bflag:$0x3] =	sbarrier.arrive $0xFFFF  }
0x4d: {  	_ =	shalt  }

</sc_bundles>
